<compile_context>
chip_gen: v7x
topology: tpu7x:2x2x1
jax: 0.10.2.dev20260603
libtpu: 0.0.44.dev20260713+nightly
codegen_flags: <defaults>
</compile_context>

<pallas_src>
import functools

import jax
import jax.numpy as jnp
from jax import lax
from jax.experimental import pallas as pl
from jax.experimental.pallas import tpu as pltpu
from jax.experimental.pallas import tpu_sc as plsc

N_NODES = 10000
N_EDGES = 320000
D = 128

_INFO = plsc.get_sparse_core_info()
NC = _INFO.num_cores
NS = _INFO.num_subcores
NW = NC * NS

CHUNK = 128
EPW = N_EDGES // NW
STEPS = 80
N_ACC = 10240
RPS = N_ACC // NS
SHIFT = 14
MASK = (1 << SHIFT) - 1


def _sc_segment_sum(x, packed, z2, z1):
    mesh = plsc.VectorSubcoreMesh(core_axis_name="c", subcore_axis_name="s")

    @functools.partial(
        pl.kernel,
        mesh=mesh,
        out_type=(
            jax.ShapeDtypeStruct((NC, N_ACC, D), jnp.float32),
            jax.ShapeDtypeStruct((NC, N_ACC), jnp.float32),
        ),
        scratch_types=[
            pltpu.VMEM((STEPS, CHUNK), jnp.int32),
            pltpu.VMEM((CHUNK,), jnp.int32),
            pltpu.VMEM((CHUNK,), jnp.int32),
            pltpu.VMEM((CHUNK,), jnp.int32),
            pltpu.VMEM((CHUNK,), jnp.int32),
            pltpu.VMEM((CHUNK, D), jnp.float32),
            pltpu.VMEM((CHUNK, D), jnp.float32),
            pltpu.VMEM((CHUNK,), jnp.float32),
            pltpu.VMEM_SHARED((N_ACC, D), jnp.float32),
            pltpu.VMEM_SHARED((N_ACC,), jnp.float32),
            pltpu.SemaphoreType.DMA,
            pltpu.SemaphoreType.DMA,
            pltpu.SemaphoreType.DMA,
            pltpu.SemaphoreType.DMA,
            pltpu.SemaphoreType.DMA,
            pltpu.SemaphoreType.DMA,
        ],
    )
    def k(x_hbm, pk_hbm, z2_hbm, z1_hbm, acc_out, cnt_out,
          pk_v, src0, src1, dst0, dst1, rows0, rows1, ones_v, acc_sh, cnt_sh,
          sem0, sem1, sem0b, sem1b, csem0, csem1):
        c = lax.axis_index("c")
        s = lax.axis_index("s")
        wid = s * NC + c

        pltpu.sync_copy(z2_hbm.at[pl.ds(s * RPS, RPS)],
                        acc_sh.at[pl.ds(s * RPS, RPS)])
        pltpu.sync_copy(z1_hbm.at[pl.ds(s * RPS, RPS)],
                        cnt_sh.at[pl.ds(s * RPS, RPS)])
        pltpu.sync_copy(pk_hbm.at[pl.ds(wid * STEPS, STEPS)], pk_v)
        for i in range(CHUNK // 16):
            ones_v[pl.ds(i * 16, 16)] = jnp.ones((16,), jnp.float32)
        plsc.subcore_barrier()

        srcs = (src0, src1)
        dsts = (dst0, dst1)
        bufs = (rows0, rows1)
        sems = (sem0, sem1)

        def unpack(r, src_c, dst_c):
            for kk in range(CHUNK // 16):
                col = kk * 16
                v = pk_v[r, pl.ds(col, 16)]
                src_c[pl.ds(col, 16)] = lax.shift_right_logical(v, SHIFT)
                dst_c[pl.ds(col, 16)] = lax.bitwise_and(v, MASK)

        csems = (csem0, csem1)
        semsb = (sem0b, sem1b)
        H = CHUNK // 2

        def gather2(b):
            pltpu.async_copy(x_hbm.at[dsts[b].at[pl.ds(0, H)]],
                             bufs[b].at[pl.ds(0, H)], sems[b])
            pltpu.async_copy(x_hbm.at[dsts[b].at[pl.ds(H, H)]],
                             bufs[b].at[pl.ds(H, H)], semsb[b])

        def gather2_wait(b):
            pltpu.make_async_copy(x_hbm.at[dsts[b].at[pl.ds(0, H)]],
                                  bufs[b].at[pl.ds(0, H)], sems[b]).wait()
            pltpu.make_async_copy(x_hbm.at[dsts[b].at[pl.ds(H, H)]],
                                  bufs[b].at[pl.ds(H, H)], semsb[b]).wait()

        for b in range(2):
            unpack(b, srcs[b], dsts[b])
            gather2(b)

        def body(i, carry):
            j = 2 * i
            for b in range(2):
                jb = j + b
                buf, csem = bufs[b], csems[b]
                gather2_wait(b)
                pltpu.async_copy(ones_v, cnt_sh.at[srcs[b]], csem, add=True)
                pltpu.sync_copy(buf, acc_sh.at[srcs[b]], add=True)
                pltpu.make_async_copy(ones_v, cnt_sh.at[srcs[b]], csem).wait()
                nxt = lax.rem(jb + 2, STEPS)
                unpack(nxt, srcs[b], dsts[b])
                gather2(b)
            return carry

        lax.fori_loop(0, STEPS // 2, body, 0)
        for b in range(2):
            gather2_wait(b)
        plsc.subcore_barrier()

        pltpu.sync_copy(acc_sh.at[pl.ds(s * RPS, RPS)],
                        acc_out.at[c, pl.ds(s * RPS, RPS)])
        pltpu.sync_copy(cnt_sh.at[pl.ds(s * RPS, RPS)],
                        cnt_out.at[c, pl.ds(s * RPS, RPS)])

    return k(x, packed, z2, z1)


_BLK = 2048


def _tc_xl_body(x_ref, wlt_ref, b_ref, out_ref):
    out_ref[...] = (jnp.dot(x_ref[...], wlt_ref[...],
                            preferred_element_type=jnp.float32) + b_ref[...])


def _tc_xl(x, wlt, b):
    grid = N_ACC // _BLK
    return pl.pallas_call(
        _tc_xl_body,
        grid=(grid,),
        in_specs=[
            pl.BlockSpec((_BLK, D), lambda i: (i, 0)),
            pl.BlockSpec((D, D), lambda i: (0, 0)),
            pl.BlockSpec((1, D), lambda i: (0, 0)),
        ],
        out_specs=pl.BlockSpec((_BLK, D), lambda i: (i, 0)),
        out_shape=jax.ShapeDtypeStruct((N_NODES, D), jnp.float32),
    )(x, wlt, b)


def _tc_combine_body(xl_ref, acc_ref, cnt_ref, wrt_ref, out_ref):
    a = acc_ref[0] + acc_ref[1]
    cn = cnt_ref[0] + cnt_ref[1]
    agg = a * (1.0 / jnp.maximum(cn, 1.0))[:, None]
    h = xl_ref[...] + jnp.dot(agg, wrt_ref[...],
                              preferred_element_type=jnp.float32)
    h = jnp.maximum(h, 0.0)
    nrm = jnp.sqrt(jnp.sum(h * h, axis=1, keepdims=True)) + 1e-6
    out_ref[...] = h / nrm


def _tc_combine(xl, acc, cnt, wrt):
    grid = N_ACC // _BLK
    return pl.pallas_call(
        _tc_combine_body,
        grid=(grid,),
        in_specs=[
            pl.BlockSpec((_BLK, D), lambda i: (i, 0)),
            pl.BlockSpec((NC, _BLK, D), lambda i: (0, i, 0)),
            pl.BlockSpec((NC, _BLK), lambda i: (0, i)),
            pl.BlockSpec((D, D), lambda i: (0, 0)),
        ],
        out_specs=pl.BlockSpec((_BLK, D), lambda i: (i, 0)),
        out_shape=jax.ShapeDtypeStruct((N_NODES, D), jnp.float32),
    )(xl, acc, cnt, wrt)


def kernel(x, edge_index, Wl, bl, Wr, br):
    src = edge_index[0].astype(jnp.int32).reshape(NW, EPW)
    dst = edge_index[1].astype(jnp.int32).reshape(NW, EPW)
    pad = STEPS * CHUNK - EPW
    src_p = jnp.pad(src, ((0, 0), (0, pad)), constant_values=N_NODES)
    dst_p = jnp.pad(dst, ((0, 0), (0, pad)))
    packed = (jnp.left_shift(src_p, SHIFT) | dst_p).reshape(NW * STEPS, CHUNK)
    z2 = jnp.zeros((N_ACC, D), jnp.float32)
    z1 = jnp.zeros((N_ACC,), jnp.float32)
    acc, cnt = _sc_segment_sum(x, packed, z2, z1)
    xl = _tc_xl(x, Wl.T, (bl + br).reshape(1, D))
    return _tc_combine(xl, acc, cnt, Wr.T)

# --- scband reference (transcript-rebuilt; emitter-appended) ---
"""Pipeline reference for scband-my-graph-sage-3075196584645 (READ-ONLY COPY).

The authoritative reference and input builder live on the scoring server;
editing this copy changes nothing except your own understanding.
"""

import jax, jax.numpy as jnp
import numpy as np

N_NODES = 10000
N_EDGES = 320000
D = 128

def setup_inputs(seed: int = 0) -> dict:
    key = jax.random.key(seed)
    k1, k2, k3, k4, k5, k6 = jax.random.split(key, 6)
    x = jax.random.normal(k1, (N_NODES, D), dtype=jnp.float32)
    edge_index = jax.random.randint(k2, (2, N_EDGES), 0, N_NODES, dtype=jnp.int64)
    s = 1.0 / np.sqrt(D)
    Wl = jax.random.uniform(k3, (D, D), minval=-s, maxval=s, dtype=jnp.float32)
    bl = jax.random.uniform(k4, (D,), minval=-s, maxval=s, dtype=jnp.float32)
    Wr = jax.random.uniform(k5, (D, D), minval=-s, maxval=s, dtype=jnp.float32)
    br = jax.random.uniform(k6, (D,), minval=-s, maxval=s, dtype=jnp.float32)
    return {"x": x, "edge_index": edge_index, "Wl": Wl, "bl": bl, "Wr": Wr, "br": br}

def reference(x, edge_index, Wl, bl, Wr, br):
    N = x.shape[0]
    src = edge_index[0]
    dst = edge_index[1]
    # mean aggregation: out[i] = mean_{(i,j) in edges} x[j]; zeros if no neighbors
    gathered = jnp.take(x, dst, axis=0)
    summed = jax.ops.segment_sum(gathered, src, num_segments=N)
    cnt = jax.ops.segment_sum(jnp.ones((src.shape[0],), dtype=x.dtype), src, num_segments=N)
    denom = jnp.maximum(cnt, 1.0)[:, None]
    agg = jnp.where(cnt[:, None] > 0, summed / denom, 0.0)
    out = jax.nn.relu(x @ Wl.T + bl + agg @ Wr.T + br)
    norm = jnp.sqrt(jnp.sum(out * out, axis=1, keepdims=True)) + 1e-06
    return out / norm

if __name__ == "__main__":
    import jax
    _d = setup_inputs()
    print(jax.jit(kernel)(*tuple(_d.values())))

</pallas_src>

<mosaic_0001>
#map = affine_map<(d0, d1) -> (0, 0)>
#map1 = affine_map<(d0, d1) -> (0)>
#map2 = affine_map<(d0, d1) -> (0, 0, 0)>
module attributes {stable_mosaic.version = 14 : i64} {
  func.func @k(%arg0: i32, %arg1: i32, %arg2: memref<10000x128xf32, #tpu.memory_space<hbm>>, %arg3: memref<2560x128xi32, #tpu.memory_space<hbm>>, %arg4: memref<10240x128xf32, #tpu.memory_space<hbm>>, %arg5: memref<10240xf32, #tpu.memory_space<hbm>>, %arg6: memref<2x10240x128xf32, #tpu.memory_space<hbm>>, %arg7: memref<2x10240xf32, #tpu.memory_space<hbm>>, %arg8: memref<80x128xi32, #tpu.memory_space<vmem>>, %arg9: memref<128xi32, #tpu.memory_space<vmem>>, %arg10: memref<128xi32, #tpu.memory_space<vmem>>, %arg11: memref<128xi32, #tpu.memory_space<vmem>>, %arg12: memref<128xi32, #tpu.memory_space<vmem>>, %arg13: memref<128x128xf32, #tpu.memory_space<vmem>>, %arg14: memref<128x128xf32, #tpu.memory_space<vmem>>, %arg15: memref<128xf32, #tpu.memory_space<vmem>>, %arg16: memref<10240x128xf32, #tpu.memory_space<vmem_shared>>, %arg17: memref<10240xf32, #tpu.memory_space<vmem_shared>>, %arg18: memref<!tpu.dma_semaphore, #tpu.memory_space<semaphore_mem>>, %arg19: memref<!tpu.dma_semaphore, #tpu.memory_space<semaphore_mem>>, %arg20: memref<!tpu.dma_semaphore, #tpu.memory_space<semaphore_mem>>, %arg21: memref<!tpu.dma_semaphore, #tpu.memory_space<semaphore_mem>>, %arg22: memref<!tpu.dma_semaphore, #tpu.memory_space<semaphore_mem>>, %arg23: memref<!tpu.dma_semaphore, #tpu.memory_space<semaphore_mem>>) attributes {dimension_semantics = [#tpu.dimension_semantics<core_parallel>, #tpu.dimension_semantics<subcore_parallel>], iteration_bounds = array<i64: 2, 16>, scalar_prefetch = 0 : i64, scratch_operands = 16 : i64, tpu.core_type = #tpu.core_type<sc_vector_subcore>, window_params = [{transform_indices = #map}, {transform_indices = #map}, {transform_indices = #map}, {transform_indices = #map1}, {transform_indices = #map2}, {transform_indices = #map}]} {
    %mul3A = arith.constant 2 : i32
    %mul3A_0 = arith.muli %arg1, %mul3A : i32
    %add3A = arith.addi %mul3A_0, %arg0 : i32
    %mul3A_1 = arith.constant 640 : i32
    %mul3A_2 = arith.muli %arg1, %mul3A_1 : i32
    %mul3A_3 = arith.constant 640 : i32
    %mul3A_4 = arith.muli %arg1, %mul3A_3 : i32
    "tpu.region"() ({
      %run_scoped3A = tpu.sem_alloc : memref<!tpu.dma_semaphore, #tpu.memory_space<semaphore_mem>>
      %dma_start3A_434 = arith.constant 0 : i32
      %dma_start3A_435 = tpu.memref_slice %arg16[%mul3A_4, %dma_start3A_434] : memref<10240x128xf32, #tpu.memory_space<vmem_shared>> -> memref<640x128xf32, #tpu.memory_space<vmem_shared>>
      %dma_start3A_436 = arith.constant 0 : i32
      %dma_start3A_437 = tpu.memref_slice %arg4[%mul3A_2, %dma_start3A_436] : memref<10240x128xf32, #tpu.memory_space<hbm>> -> memref<640x128xf32, #tpu.memory_space<hbm>>
      tpu.enqueue_dma source(%dma_start3A_437 : memref<640x128xf32, #tpu.memory_space<hbm>>) target(%dma_start3A_435 : memref<640x128xf32, #tpu.memory_space<vmem_shared>>) target_semaphore(%run_scoped3A : memref<!tpu.dma_semaphore, #tpu.memory_space<semaphore_mem>>)
      %dma_wait3A_438 = arith.constant 0 : i32
      %dma_wait3A_439 = tpu.memref_slice %arg16[%mul3A_4, %dma_wait3A_438] : memref<10240x128xf32, #tpu.memory_space<vmem_shared>> -> memref<640x128xf32, #tpu.memory_space<vmem_shared>>
      %dma_wait3A_440 = arith.constant 0 : i32
      %dma_wait3A_441 = tpu.memref_slice %arg4[%mul3A_2, %dma_wait3A_440] : memref<10240x128xf32, #tpu.memory_space<hbm>> -> memref<640x128xf32, #tpu.memory_space<hbm>>
      tpu.wait_dma2 semaphore(%run_scoped3A : memref<!tpu.dma_semaphore, #tpu.memory_space<semaphore_mem>>) src(%dma_wait3A_441 : memref<640x128xf32, #tpu.memory_space<hbm>>) dst(%dma_wait3A_439 : memref<640x128xf32, #tpu.memory_space<vmem_shared>>)
      tpu.yield
    }) : () -> ()
    %mul3A_5 = arith.constant 640 : i32
    %mul3A_6 = arith.muli %arg1, %mul3A_5 : i32
    %mul3A_7 = arith.constant 640 : i32
    %mul3A_8 = arith.muli %arg1, %mul3A_7 : i32
    "tpu.region"() ({
      %run_scoped3A = tpu.sem_alloc : memref<!tpu.dma_semaphore, #tpu.memory_space<semaphore_mem>>
      %dma_start3A_434 = tpu.memref_slice %arg17[%mul3A_8] : memref<10240xf32, #tpu.memory_space<vmem_shared>> -> memref<640xf32, #tpu.memory_space<vmem_shared>>
      %dma_start3A_435 = tpu.memref_slice %arg5[%mul3A_6] : memref<10240xf32, #tpu.memory_space<hbm>> -> memref<640xf32, #tpu.memory_space<hbm>>
      tpu.enqueue_dma source(%dma_start3A_435 : memref<640xf32, #tpu.memory_space<hbm>>) target(%dma_start3A_434 : memref<640xf32, #tpu.memory_space<vmem_shared>>) target_semaphore(%run_scoped3A : memref<!tpu.dma_semaphore, #tpu.memory_space<semaphore_mem>>)
      %dma_wait3A_436 = tpu.memref_slice %arg17[%mul3A_8] : memref<10240xf32, #tpu.memory_space<vmem_shared>> -> memref<640xf32, #tpu.memory_space<vmem_shared>>
      %dma_wait3A_437 = tpu.memref_slice %arg5[%mul3A_6] : memref<10240xf32, #tpu.memory_space<hbm>> -> memref<640xf32, #tpu.memory_space<hbm>>
      tpu.wait_dma2 semaphore(%run_scoped3A : memref<!tpu.dma_semaphore, #tpu.memory_space<semaphore_mem>>) src(%dma_wait3A_437 : memref<640xf32, #tpu.memory_space<hbm>>) dst(%dma_wait3A_436 : memref<640xf32, #tpu.memory_space<vmem_shared>>)
      tpu.yield
    }) : () -> ()
    %mul3A_9 = arith.constant 80 : i32
    %mul3A_10 = arith.muli %add3A, %mul3A_9 : i32
    "tpu.region"() ({
      %run_scoped3A = tpu.sem_alloc : memref<!tpu.dma_semaphore, #tpu.memory_space<semaphore_mem>>
      %dma_start3A_434 = arith.constant 0 : i32
      %dma_start3A_435 = tpu.memref_slice %arg3[%mul3A_10, %dma_start3A_434] : memref<2560x128xi32, #tpu.memory_space<hbm>> -> memref<80x128xi32, #tpu.memory_space<hbm>>
      %dma_start3A_436 = arith.constant 0 : i32
      %dma_start3A_437 = tpu.memref_slice %arg3[%mul3A_10, %dma_start3A_436] : memref<2560x128xi32, #tpu.memory_space<hbm>> -> memref<80x128xi32, #tpu.memory_space<hbm>>
      tpu.enqueue_dma source(%dma_start3A_437 : memref<80x128xi32, #tpu.memory_space<hbm>>) target(%arg8 : memref<80x128xi32, #tpu.memory_space<vmem>>) target_semaphore(%run_scoped3A : memref<!tpu.dma_semaphore, #tpu.memory_space<semaphore_mem>>)
      %dma_wait3A_438 = arith.constant 0 : i32
      %dma_wait3A_439 = tpu.memref_slice %arg3[%mul3A_10, %dma_wait3A_438] : memref<2560x128xi32, #tpu.memory_space<hbm>> -> memref<80x128xi32, #tpu.memory_space<hbm>>
      %dma_wait3A_440 = arith.constant 0 : i32
      %dma_wait3A_441 = tpu.memref_slice %arg3[%mul3A_10, %dma_wait3A_440] : memref<2560x128xi32, #tpu.memory_space<hbm>> -> memref<80x128xi32, #tpu.memory_space<hbm>>
      tpu.wait_dma2 semaphore(%run_scoped3A : memref<!tpu.dma_semaphore, #tpu.memory_space<semaphore_mem>>) src(%dma_wait3A_441 : memref<80x128xi32, #tpu.memory_space<hbm>>) dst(%arg8 : memref<80x128xi32, #tpu.memory_space<vmem>>)
      tpu.yield
    }) : () -> ()
    %broadcast_in_dim3A = arith.constant 1.000000e+00 : f32
    %broadcast_in_dim3A_11 = vector.broadcast %broadcast_in_dim3A : f32 to vector<16xf32>
    %swap3A = arith.constant 0 : index
    %swap3A_12 = tpu.vector_load %arg15[%swap3A] {strides = array<i32>} : memref<128xf32, #tpu.memory_space<vmem>>, vector<16xf32>,
    %swap3A_13 = vector.shape_cast %swap3A_12 : vector<16xf32> to vector<16xf32>
    %swap3A_14 = vector.shape_cast %broadcast_in_dim3A_11 : vector<16xf32> to vector<16xf32>
    tpu.vector_store %arg15[%swap3A], %swap3A_14 {strides = array<i32>} : memref<128xf32, #tpu.memory_space<vmem>>, vector<16xf32>,
    %broadcast_in_dim3A_15 = arith.constant 1.000000e+00 : f32
    %broadcast_in_dim3A_16 = vector.broadcast %broadcast_in_dim3A_15 : f32 to vector<16xf32>
    %swap3A_17 = arith.constant 16 : index
    %swap3A_18 = tpu.vector_load %arg15[%swap3A_17] {strides = array<i32>} : memref<128xf32, #tpu.memory_space<vmem>>, vector<16xf32>,
    %swap3A_19 = vector.shape_cast %swap3A_18 : vector<16xf32> to vector<16xf32>
    %swap3A_20 = vector.shape_cast %broadcast_in_dim3A_16 : vector<16xf32> to vector<16xf32>
    tpu.vector_store %arg15[%swap3A_17], %swap3A_20 {strides = array<i32>} : memref<128xf32, #tpu.memory_space<vmem>>, vector<16xf32>,
    %broadcast_in_dim3A_21 = arith.constant 1.000000e+00 : f32
    %broadcast_in_dim3A_22 = vector.broadcast %broadcast_in_dim3A_21 : f32 to vector<16xf32>
    %swap3A_23 = arith.constant 32 : index
    %swap3A_24 = tpu.vector_load %arg15[%swap3A_23] {strides = array<i32>} : memref<128xf32, #tpu.memory_space<vmem>>, vector<16xf32>,
    %swap3A_25 = vector.shape_cast %swap3A_24 : vector<16xf32> to vector<16xf32>
    %swap3A_26 = vector.shape_cast %broadcast_in_dim3A_22 : vector<16xf32> to vector<16xf32>
    tpu.vector_store %arg15[%swap3A_23], %swap3A_26 {strides = array<i32>} : memref<128xf32, #tpu.memory_space<vmem>>, vector<16xf32>,
    %broadcast_in_dim3A_27 = arith.constant 1.000000e+00 : f32
    %broadcast_in_dim3A_28 = vector.broadcast %broadcast_in_dim3A_27 : f32 to vector<16xf32>
    %swap3A_29 = arith.constant 48 : index
    %swap3A_30 = tpu.vector_load %arg15[%swap3A_29] {strides = array<i32>} : memref<128xf32, #tpu.memory_space<vmem>>, vector<16xf32>,
    %swap3A_31 = vector.shape_cast %swap3A_30 : vector<16xf32> to vector<16xf32>
    %swap3A_32 = vector.shape_cast %broadcast_in_dim3A_28 : vector<16xf32> to vector<16xf32>
    tpu.vector_store %arg15[%swap3A_29], %swap3A_32 {strides = array<i32>} : memref<128xf32, #tpu.memory_space<vmem>>, vector<16xf32>,
    %broadcast_in_dim3A_33 = arith.constant 1.000000e+00 : f32
    %broadcast_in_dim3A_34 = vector.broadcast %broadcast_in_dim3A_33 : f32 to vector<16xf32>
    %swap3A_35 = arith.constant 64 : index
    %swap3A_36 = tpu.vector_load %arg15[%swap3A_35] {strides = array<i32>} : memref<128xf32, #tpu.memory_space<vmem>>, vector<16xf32>,
    %swap3A_37 = vector.shape_cast %swap3A_36 : vector<16xf32> to vector<16xf32>
    %swap3A_38 = vector.shape_cast %broadcast_in_dim3A_34 : vector<16xf32> to vector<16xf32>
    tpu.vector_store %arg15[%swap3A_35], %swap3A_38 {strides = array<i32>} : memref<128xf32, #tpu.memory_space<vmem>>, vector<16xf32>,
    %broadcast_in_dim3A_39 = arith.constant 1.000000e+00 : f32
    %broadcast_in_dim3A_40 = vector.broadcast %broadcast_in_dim3A_39 : f32 to vector<16xf32>
    %swap3A_41 = arith.constant 80 : index
    %swap3A_42 = tpu.vector_load %arg15[%swap3A_41] {strides = array<i32>} : memref<128xf32, #tpu.memory_space<vmem>>, vector<16xf32>,
    %swap3A_43 = vector.shape_cast %swap3A_42 : vector<16xf32> to vector<16xf32>
    %swap3A_44 = vector.shape_cast %broadcast_in_dim3A_40 : vector<16xf32> to vector<16xf32>
    tpu.vector_store %arg15[%swap3A_41], %swap3A_44 {strides = array<i32>} : memref<128xf32, #tpu.memory_space<vmem>>, vector<16xf32>,
    %broadcast_in_dim3A_45 = arith.constant 1.000000e+00 : f32
    %broadcast_in_dim3A_46 = vector.broadcast %broadcast_in_dim3A_45 : f32 to vector<16xf32>
    %swap3A_47 = arith.constant 96 : index
    %swap3A_48 = tpu.vector_load %arg15[%swap3A_47] {strides = array<i32>} : memref<128xf32, #tpu.memory_space<vmem>>, vector<16xf32>,
    %swap3A_49 = vector.shape_cast %swap3A_48 : vector<16xf32> to vector<16xf32>
    %swap3A_50 = vector.shape_cast %broadcast_in_dim3A_46 : vector<16xf32> to vector<16xf32>
    tpu.vector_store %arg15[%swap3A_47], %swap3A_50 {strides = array<i32>} : memref<128xf32, #tpu.memory_space<vmem>>, vector<16xf32>,
    %broadcast_in_dim3A_51 = arith.constant 1.000000e+00 : f32
    %broadcast_in_dim3A_52 = vector.broadcast %broadcast_in_dim3A_51 : f32 to vector<16xf32>
    %swap3A_53 = arith.constant 112 : index
    %swap3A_54 = tpu.vector_load %arg15[%swap3A_53] {strides = array<i32>} : memref<128xf32, #tpu.memory_space<vmem>>, vector<16xf32>,
    %swap3A_55 = vector.shape_cast %swap3A_54 : vector<16xf32> to vector<16xf32>
    %swap3A_56 = vector.shape_cast %broadcast_in_dim3A_52 : vector<16xf32> to vector<16xf32>
    tpu.vector_store %arg15[%swap3A_53], %swap3A_56 {strides = array<i32>} : memref<128xf32, #tpu.memory_space<vmem>>, vector<16xf32>,
    %barrier3A = arith.constant 0 : index
    tpu.barrier barrier_id(%barrier3A)
    %get3A = arith.constant 0 : i32
    %get3A_57 = arith.index_cast %get3A : i32 to index
    %get3A_58 = arith.constant 0 : index
    %get3A_59 = tpu.vector_load %arg8[%get3A_57, %get3A_58] {strides = array<i32>} : memref<80x128xi32, #tpu.memory_space<vmem>>, vector<1x16xi32>,
    %get3A_60 = vector.shape_cast %get3A_59 : vector<1x16xi32> to vector<16xi32>
    %shift_right_logical3A = arith.constant 14 : i32
    %shift_right_logical3A_61 = vector.broadcast %shift_right_logical3A : i32 to vector<16xi32>
    %shift_right_logical3A_62 = arith.shrui %get3A_60, %shift_right_logical3A_61 : vector<16xi32>
    %swap3A_63 = arith.constant 0 : index
    %swap3A_64 = tpu.vector_load %arg9[%swap3A_63] {strides = array<i32>} : memref<128xi32, #tpu.memory_space<vmem>>, vector<16xi32>,
    %swap3A_65 = vector.shape_cast %swap3A_64 : vector<16xi32> to vector<16xi32>
    %swap3A_66 = vector.shape_cast %shift_right_logical3A_62 : vector<16xi32> to vector<16xi32>
    tpu.vector_store %arg9[%swap3A_63], %swap3A_66 {strides = array<i32>} : memref<128xi32, #tpu.memory_space<vmem>>, vector<16xi32>,
    %and3A = arith.constant 16383 : i32
    %and3A_67 = vector.broadcast %and3A : i32 to vector<16xi32>
    %and3A_68 = arith.andi %get3A_60, %and3A_67 : vector<16xi32>
    %swap3A_69 = arith.constant 0 : index
    %swap3A_70 = tpu.vector_load %arg11[%swap3A_69] {strides = array<i32>} : memref<128xi32, #tpu.memory_space<vmem>>, vector<16xi32>,
    %swap3A_71 = vector.shape_cast %swap3A_70 : vector<16xi32> to vector<16xi32>
    %swap3A_72 = vector.shape_cast %and3A_68 : vector<16xi32> to vector<16xi32>
    tpu.vector_store %arg11[%swap3A_69], %swap3A_72 {strides = array<i32>} : memref<128xi32, #tpu.memory_space<vmem>>, vector<16xi32>,
    %get3A_73 = arith.constant 0 : i32
    %get3A_74 = arith.index_cast %get3A_73 : i32 to index
    %get3A_75 = arith.constant 16 : index
    %get3A_76 = tpu.vector_load %arg8[%get3A_74, %get3A_75] {strides = array<i32>} : memref<80x128xi32, #tpu.memory_space<vmem>>, vector<1x16xi32>,
    %get3A_77 = vector.shape_cast %get3A_76 : vector<1x16xi32> to vector<16xi32>
    %shift_right_logical3A_78 = arith.constant 14 : i32
    %shift_right_logical3A_79 = vector.broadcast %shift_right_logical3A_78 : i32 to vector<16xi32>
    %shift_right_logical3A_80 = arith.shrui %get3A_77, %shift_right_logical3A_79 : vector<16xi32>
    %swap3A_81 = arith.constant 16 : index
    %swap3A_82 = tpu.vector_load %arg9[%swap3A_81] {strides = array<i32>} : memref<128xi32, #tpu.memory_space<vmem>>, vector<16xi32>,
    %swap3A_83 = vector.shape_cast %swap3A_82 : vector<16xi32> to vector<16xi32>
    %swap3A_84 = vector.shape_cast %shift_right_logical3A_80 : vector<16xi32> to vector<16xi32>
    tpu.vector_store %arg9[%swap3A_81], %swap3A_84 {strides = array<i32>} : memref<128xi32, #tpu.memory_space<vmem>>, vector<16xi32>,
    %and3A_85 = arith.constant 16383 : i32
    %and3A_86 = vector.broadcast %and3A_85 : i32 to vector<16xi32>
    %and3A_87 = arith.andi %get3A_77, %and3A_86 : vector<16xi32>
    %swap3A_88 = arith.constant 16 : index
    %swap3A_89 = tpu.vector_load %arg11[%swap3A_88] {strides = array<i32>} : memref<128xi32, #tpu.memory_space<vmem>>, vector<16xi32>,
    %swap3A_90 = vector.shape_cast %swap3A_89 : vector<16xi32> to vector<16xi32>
    %swap3A_91 = vector.shape_cast %and3A_87 : vector<16xi32> to vector<16xi32>
    tpu.vector_store %arg11[%swap3A_88], %swap3A_91 {strides = array<i32>} : memref<128xi32, #tpu.memory_space<vmem>>, vector<16xi32>,
    %get3A_92 = arith.constant 0 : i32
    %get3A_93 = arith.index_cast %get3A_92 : i32 to index
    %get3A_94 = arith.constant 32 : index
    %get3A_95 = tpu.vector_load %arg8[%get3A_93, %get3A_94] {strides = array<i32>} : memref<80x128xi32, #tpu.memory_space<vmem>>, vector<1x16xi32>,
    %get3A_96 = vector.shape_cast %get3A_95 : vector<1x16xi32> to vector<16xi32>
    %shift_right_logical3A_97 = arith.constant 14 : i32
    %shift_right_logical3A_98 = vector.broadcast %shift_right_logical3A_97 : i32 to vector<16xi32>
    %shift_right_logical3A_99 = arith.shrui %get3A_96, %shift_right_logical3A_98 : vector<16xi32>
    %swap3A_100 = arith.constant 32 : index
    %swap3A_101 = tpu.vector_load %arg9[%swap3A_100] {strides = array<i32>} : memref<128xi32, #tpu.memory_space<vmem>>, vector<16xi32>,
    %swap3A_102 = vector.shape_cast %swap3A_101 : vector<16xi32> to vector<16xi32>
    %swap3A_103 = vector.shape_cast %shift_right_logical3A_99 : vector<16xi32> to vector<16xi32>
    tpu.vector_store %arg9[%swap3A_100], %swap3A_103 {strides = array<i32>} : memref<128xi32, #tpu.memory_space<vmem>>, vector<16xi32>,
    %and3A_104 = arith.constant 16383 : i32
    %and3A_105 = vector.broadcast %and3A_104 : i32 to vector<16xi32>
    %and3A_106 = arith.andi %get3A_96, %and3A_105 : vector<16xi32>
    %swap3A_107 = arith.constant 32 : index
    %swap3A_108 = tpu.vector_load %arg11[%swap3A_107] {strides = array<i32>} : memref<128xi32, #tpu.memory_space<vmem>>, vector<16xi32>,
    %swap3A_109 = vector.shape_cast %swap3A_108 : vector<16xi32> to vector<16xi32>
    %swap3A_110 = vector.shape_cast %and3A_106 : vector<16xi32> to vector<16xi32>
    tpu.vector_store %arg11[%swap3A_107], %swap3A_110 {strides = array<i32>} : memref<128xi32, #tpu.memory_space<vmem>>, vector<16xi32>,
    %get3A_111 = arith.constant 0 : i32
    %get3A_112 = arith.index_cast %get3A_111 : i32 to index
    %get3A_113 = arith.constant 48 : index
    %get3A_114 = tpu.vector_load %arg8[%get3A_112, %get3A_113] {strides = array<i32>} : memref<80x128xi32, #tpu.memory_space<vmem>>, vector<1x16xi32>,
    %get3A_115 = vector.shape_cast %get3A_114 : vector<1x16xi32> to vector<16xi32>
    %shift_right_logical3A_116 = arith.constant 14 : i32
    %shift_right_logical3A_117 = vector.broadcast %shift_right_logical3A_116 : i32 to vector<16xi32>
    %shift_right_logical3A_118 = arith.shrui %get3A_115, %shift_right_logical3A_117 : vector<16xi32>
    %swap3A_119 = arith.constant 48 : index
    %swap3A_120 = tpu.vector_load %arg9[%swap3A_119] {strides = array<i32>} : memref<128xi32, #tpu.memory_space<vmem>>, vector<16xi32>,
    %swap3A_121 = vector.shape_cast %swap3A_120 : vector<16xi32> to vector<16xi32>
    %swap3A_122 = vector.shape_cast %shift_right_logical3A_118 : vector<16xi32> to vector<16xi32>
    tpu.vector_store %arg9[%swap3A_119], %swap3A_122 {strides = array<i32>} : memref<128xi32, #tpu.memory_space<vmem>>, vector<16xi32>,
    %and3A_123 = arith.constant 16383 : i32
    %and3A_124 = vector.broadcast %and3A_123 : i32 to vector<16xi32>
    %and3A_125 = arith.andi %get3A_115, %and3A_124 : vector<16xi32>
    %swap3A_126 = arith.constant 48 : index
    %swap3A_127 = tpu.vector_load %arg11[%swap3A_126] {strides = array<i32>} : memref<128xi32, #tpu.memory_space<vmem>>, vector<16xi32>,
    %swap3A_128 = vector.shape_cast %swap3A_127 : vector<16xi32> to vector<16xi32>
    %swap3A_129 = vector.shape_cast %and3A_125 : vector<16xi32> to vector<16xi32>
    tpu.vector_store %arg11[%swap3A_126], %swap3A_129 {strides = array<i32>} : memref<128xi32, #tpu.memory_space<vmem>>, vector<16xi32>,
    %get3A_130 = arith.constant 0 : i32
    %get3A_131 = arith.index_cast %get3A_130 : i32 to index
    %get3A_132 = arith.constant 64 : index
    %get3A_133 = tpu.vector_load %arg8[%get3A_131, %get3A_132] {strides = array<i32>} : memref<80x128xi32, #tpu.memory_space<vmem>>, vector<1x16xi32>,
    %get3A_134 = vector.shape_cast %get3A_133 : vector<1x16xi32> to vector<16xi32>
    %shift_right_logical3A_135 = arith.constant 14 : i32
    %shift_right_logical3A_136 = vector.broadcast %shift_right_logical3A_135 : i32 to vector<16xi32>
    %shift_right_logical3A_137 = arith.shrui %get3A_134, %shift_right_logical3A_136 : vector<16xi32>
    %swap3A_138 = arith.constant 64 : index
    %swap3A_139 = tpu.vector_load %arg9[%swap3A_138] {strides = array<i32>} : memref<128xi32, #tpu.memory_space<vmem>>, vector<16xi32>,
    %swap3A_140 = vector.shape_cast %swap3A_139 : vector<16xi32> to vector<16xi32>
    %swap3A_141 = vector.shape_cast %shift_right_logical3A_137 : vector<16xi32> to vector<16xi32>
    tpu.vector_store %arg9[%swap3A_138], %swap3A_141 {strides = array<i32>} : memref<128xi32, #tpu.memory_space<vmem>>, vector<16xi32>,
    %and3A_142 = arith.constant 16383 : i32
    %and3A_143 = vector.broadcast %and3A_142 : i32 to vector<16xi32>
    %and3A_144 = arith.andi %get3A_134, %and3A_143 : vector<16xi32>
    %swap3A_145 = arith.constant 64 : index
    %swap3A_146 = tpu.vector_load %arg11[%swap3A_145] {strides = array<i32>} : memref<128xi32, #tpu.memory_space<vmem>>, vector<16xi32>,
    %swap3A_147 = vector.shape_cast %swap3A_146 : vector<16xi32> to vector<16xi32>
    %swap3A_148 = vector.shape_cast %and3A_144 : vector<16xi32> to vector<16xi32>
    tpu.vector_store %arg11[%swap3A_145], %swap3A_148 {strides = array<i32>} : memref<128xi32, #tpu.memory_space<vmem>>, vector<16xi32>,
    %get3A_149 = arith.constant 0 : i32
    %get3A_150 = arith.index_cast %get3A_149 : i32 to index
    %get3A_151 = arith.constant 80 : index
    %get3A_152 = tpu.vector_load %arg8[%get3A_150, %get3A_151] {strides = array<i32>} : memref<80x128xi32, #tpu.memory_space<vmem>>, vector<1x16xi32>,
    %get3A_153 = vector.shape_cast %get3A_152 : vector<1x16xi32> to vector<16xi32>
    %shift_right_logical3A_154 = arith.constant 14 : i32
    %shift_right_logical3A_155 = vector.broadcast %shift_right_logical3A_154 : i32 to vector<16xi32>
    %shift_right_logical3A_156 = arith.shrui %get3A_153, %shift_right_logical3A_155 : vector<16xi32>
    %swap3A_157 = arith.constant 80 : index
    %swap3A_158 = tpu.vector_load %arg9[%swap3A_157] {strides = array<i32>} : memref<128xi32, #tpu.memory_space<vmem>>, vector<16xi32>,
    %swap3A_159 = vector.shape_cast %swap3A_158 : vector<16xi32> to vector<16xi32>
    %swap3A_160 = vector.shape_cast %shift_right_logical3A_156 : vector<16xi32> to vector<16xi32>
    tpu.vector_store %arg9[%swap3A_157], %swap3A_160 {strides = array<i32>} : memref<128xi32, #tpu.memory_space<vmem>>, vector<16xi32>,
    %and3A_161 = arith.constant 16383 : i32
    %and3A_162 = vector.broadcast %and3A_161 : i32 to vector<16xi32>
    %and3A_163 = arith.andi %get3A_153, %and3A_162 : vector<16xi32>
    %swap3A_164 = arith.constant 80 : index
    %swap3A_165 = tpu.vector_load %arg11[%swap3A_164] {strides = array<i32>} : memref<128xi32, #tpu.memory_space<vmem>>, vector<16xi32>,
    %swap3A_166 = vector.shape_cast %swap3A_165 : vector<16xi32> to vector<16xi32>
    %swap3A_167 = vector.shape_cast %and3A_163 : vector<16xi32> to vector<16xi32>
    tpu.vector_store %arg11[%swap3A_164], %swap3A_167 {strides = array<i32>} : memref<128xi32, #tpu.memory_space<vmem>>, vector<16xi32>,
    %get3A_168 = arith.constant 0 : i32
    %get3A_169 = arith.index_cast %get3A_168 : i32 to index
    %get3A_170 = arith.constant 96 : index
    %get3A_171 = tpu.vector_load %arg8[%get3A_169, %get3A_170] {strides = array<i32>} : memref<80x128xi32, #tpu.memory_space<vmem>>, vector<1x16xi32>,
    %get3A_172 = vector.shape_cast %get3A_171 : vector<1x16xi32> to vector<16xi32>
    %shift_right_logical3A_173 = arith.constant 14 : i32
    %shift_right_logical3A_174 = vector.broadcast %shift_right_logical3A_173 : i32 to vector<16xi32>
    %shift_right_logical3A_175 = arith.shrui %get3A_172, %shift_right_logical3A_174 : vector<16xi32>
    %swap3A_176 = arith.constant 96 : index
    %swap3A_177 = tpu.vector_load %arg9[%swap3A_176] {strides = array<i32>} : memref<128xi32, #tpu.memory_space<vmem>>, vector<16xi32>,
    %swap3A_178 = vector.shape_cast %swap3A_177 : vector<16xi32> to vector<16xi32>
    %swap3A_179 = vector.shape_cast %shift_right_logical3A_175 : vector<16xi32> to vector<16xi32>
    tpu.vector_store %arg9[%swap3A_176], %swap3A_179 {strides = array<i32>} : memref<128xi32, #tpu.memory_space<vmem>>, vector<16xi32>,
    %and3A_180 = arith.constant 16383 : i32
    %and3A_181 = vector.broadcast %and3A_180 : i32 to vector<16xi32>
    %and3A_182 = arith.andi %get3A_172, %and3A_181 : vector<16xi32>
    %swap3A_183 = arith.constant 96 : index
    %swap3A_184 = tpu.vector_load %arg11[%swap3A_183] {strides = array<i32>} : memref<128xi32, #tpu.memory_space<vmem>>, vector<16xi32>,
    %swap3A_185 = vector.shape_cast %swap3A_184 : vector<16xi32> to vector<16xi32>
    %swap3A_186 = vector.shape_cast %and3A_182 : vector<16xi32> to vector<16xi32>
    tpu.vector_store %arg11[%swap3A_183], %swap3A_186 {strides = array<i32>} : memref<128xi32, #tpu.memory_space<vmem>>, vector<16xi32>,
    %get3A_187 = arith.constant 0 : i32
    %get3A_188 = arith.index_cast %get3A_187 : i32 to index
    %get3A_189 = arith.constant 112 : index
    %get3A_190 = tpu.vector_load %arg8[%get3A_188, %get3A_189] {strides = array<i32>} : memref<80x128xi32, #tpu.memory_space<vmem>>, vector<1x16xi32>,
    %get3A_191 = vector.shape_cast %get3A_190 : vector<1x16xi32> to vector<16xi32>
    %shift_right_logical3A_192 = arith.constant 14 : i32
    %shift_right_logical3A_193 = vector.broadcast %shift_right_logical3A_192 : i32 to vector<16xi32>
    %shift_right_logical3A_194 = arith.shrui %get3A_191, %shift_right_logical3A_193 : vector<16xi32>
    %swap3A_195 = arith.constant 112 : index
    %swap3A_196 = tpu.vector_load %arg9[%swap3A_195] {strides = array<i32>} : memref<128xi32, #tpu.memory_space<vmem>>, vector<16xi32>,
    %swap3A_197 = vector.shape_cast %swap3A_196 : vector<16xi32> to vector<16xi32>
    %swap3A_198 = vector.shape_cast %shift_right_logical3A_194 : vector<16xi32> to vector<16xi32>
    tpu.vector_store %arg9[%swap3A_195], %swap3A_198 {strides = array<i32>} : memref<128xi32, #tpu.memory_space<vmem>>, vector<16xi32>,
    %and3A_199 = arith.constant 16383 : i32
    %and3A_200 = vector.broadcast %and3A_199 : i32 to vector<16xi32>
    %and3A_201 = arith.andi %get3A_191, %and3A_200 : vector<16xi32>
    %swap3A_202 = arith.constant 112 : index
    %swap3A_203 = tpu.vector_load %arg11[%swap3A_202] {strides = array<i32>} : memref<128xi32, #tpu.memory_space<vmem>>, vector<16xi32>,
    %swap3A_204 = vector.shape_cast %swap3A_203 : vector<16xi32> to vector<16xi32>
    %swap3A_205 = vector.shape_cast %and3A_201 : vector<16xi32> to vector<16xi32>
    tpu.vector_store %arg11[%swap3A_202], %swap3A_205 {strides = array<i32>} : memref<128xi32, #tpu.memory_space<vmem>>, vector<16xi32>,
    %dma_start3A = arith.constant 0 : i32
    %dma_start3A_206 = arith.constant 0 : i32
    %dma_start3A_207 = tpu.memref_slice %arg13[%dma_start3A, %dma_start3A_206] : memref<128x128xf32, #tpu.memory_space<vmem>> -> memref<64x128xf32, #tpu.memory_space<vmem>>
    %dma_start3A_208 = arith.constant 0 : i32
    %dma_start3A_209 = tpu.memref_slice %arg11[%dma_start3A_208] : memref<128xi32, #tpu.memory_space<vmem>> -> memref<64xi32, #tpu.memory_space<vmem>>
    %dma_start3A_210 = arith.constant 0 : i32
    %dma_start3A_211 = arith.constant 0 : i32
    %dma_start3A_212 = tpu.memref_slice %arg2[%dma_start3A_210, %dma_start3A_211] : memref<10000x128xf32, #tpu.memory_space<hbm>> -> memref<10000x128xf32, #tpu.memory_space<hbm>>
    tpu.enqueue_indirect_dma source(%dma_start3A_212 : memref<10000x128xf32, #tpu.memory_space<hbm>>) target(%dma_start3A_207 : memref<64x128xf32, #tpu.memory_space<vmem>>) offsets(%dma_start3A_209 : memref<64xi32, #tpu.memory_space<vmem>>) semaphore(%arg18 : memref<!tpu.dma_semaphore, #tpu.memory_space<semaphore_mem>>)
    %dma_start3A_213 = arith.constant 64 : i32
    %dma_start3A_214 = arith.constant 0 : i32
    %dma_start3A_215 = tpu.memref_slice %arg13[%dma_start3A_213, %dma_start3A_214] : memref<128x128xf32, #tpu.memory_space<vmem>> -> memref<64x128xf32, #tpu.memory_space<vmem>>
    %dma_start3A_216 = arith.constant 64 : i32
    %dma_start3A_217 = tpu.memref_slice %arg11[%dma_start3A_216] : memref<128xi32, #tpu.memory_space<vmem>> -> memref<64xi32, #tpu.memory_space<vmem>>
    %dma_start3A_218 = arith.constant 0 : i32
    %dma_start3A_219 = arith.constant 0 : i32
    %dma_start3A_220 = tpu.memref_slice %arg2[%dma_start3A_218, %dma_start3A_219] : memref<10000x128xf32, #tpu.memory_space<hbm>> -> memref<10000x128xf32, #tpu.memory_space<hbm>>
    tpu.enqueue_indirect_dma source(%dma_start3A_220 : memref<10000x128xf32, #tpu.memory_space<hbm>>) target(%dma_start3A_215 : memref<64x128xf32, #tpu.memory_space<vmem>>) offsets(%dma_start3A_217 : memref<64xi32, #tpu.memory_space<vmem>>) semaphore(%arg20 : memref<!tpu.dma_semaphore, #tpu.memory_space<semaphore_mem>>)
    %get3A_221 = arith.constant 1 : i32
    %get3A_222 = arith.index_cast %get3A_221 : i32 to index
    %get3A_223 = arith.constant 0 : index
    %get3A_224 = tpu.vector_load %arg8[%get3A_222, %get3A_223] {strides = array<i32>} : memref<80x128xi32, #tpu.memory_space<vmem>>, vector<1x16xi32>,
    %get3A_225 = vector.shape_cast %get3A_224 : vector<1x16xi32> to vector<16xi32>
    %shift_right_logical3A_226 = arith.constant 14 : i32
    %shift_right_logical3A_227 = vector.broadcast %shift_right_logical3A_226 : i32 to vector<16xi32>
    %shift_right_logical3A_228 = arith.shrui %get3A_225, %shift_right_logical3A_227 : vector<16xi32>
    %swap3A_229 = arith.constant 0 : index
    %swap3A_230 = tpu.vector_load %arg10[%swap3A_229] {strides = array<i32>} : memref<128xi32, #tpu.memory_space<vmem>>, vector<16xi32>,
    %swap3A_231 = vector.shape_cast %swap3A_230 : vector<16xi32> to vector<16xi32>
    %swap3A_232 = vector.shape_cast %shift_right_logical3A_228 : vector<16xi32> to vector<16xi32>
    tpu.vector_store %arg10[%swap3A_229], %swap3A_232 {strides = array<i32>} : memref<128xi32, #tpu.memory_space<vmem>>, vector<16xi32>,
    %and3A_233 = arith.constant 16383 : i32
    %and3A_234 = vector.broadcast %and3A_233 : i32 to vector<16xi32>
    %and3A_235 = arith.andi %get3A_225, %and3A_234 : vector<16xi32>
    %swap3A_236 = arith.constant 0 : index
    %swap3A_237 = tpu.vector_load %arg12[%swap3A_236] {strides = array<i32>} : memref<128xi32, #tpu.memory_space<vmem>>, vector<16xi32>,
    %swap3A_238 = vector.shape_cast %swap3A_237 : vector<16xi32> to vector<16xi32>
    %swap3A_239 = vector.shape_cast %and3A_235 : vector<16xi32> to vector<16xi32>
    tpu.vector_store %arg12[%swap3A_236], %swap3A_239 {strides = array<i32>} : memref<128xi32, #tpu.memory_space<vmem>>, vector<16xi32>,
    %get3A_240 = arith.constant 1 : i32
    %get3A_241 = arith.index_cast %get3A_240 : i32 to index
    %get3A_242 = arith.constant 16 : index
    %get3A_243 = tpu.vector_load %arg8[%get3A_241, %get3A_242] {strides = array<i32>} : memref<80x128xi32, #tpu.memory_space<vmem>>, vector<1x16xi32>,
    %get3A_244 = vector.shape_cast %get3A_243 : vector<1x16xi32> to vector<16xi32>
    %shift_right_logical3A_245 = arith.constant 14 : i32
    %shift_right_logical3A_246 = vector.broadcast %shift_right_logical3A_245 : i32 to vector<16xi32>
    %shift_right_logical3A_247 = arith.shrui %get3A_244, %shift_right_logical3A_246 : vector<16xi32>
    %swap3A_248 = arith.constant 16 : index
    %swap3A_249 = tpu.vector_load %arg10[%swap3A_248] {strides = array<i32>} : memref<128xi32, #tpu.memory_space<vmem>>, vector<16xi32>,
    %swap3A_250 = vector.shape_cast %swap3A_249 : vector<16xi32> to vector<16xi32>
    %swap3A_251 = vector.shape_cast %shift_right_logical3A_247 : vector<16xi32> to vector<16xi32>
    tpu.vector_store %arg10[%swap3A_248], %swap3A_251 {strides = array<i32>} : memref<128xi32, #tpu.memory_space<vmem>>, vector<16xi32>,
    %and3A_252 = arith.constant 16383 : i32
    %and3A_253 = vector.broadcast %and3A_252 : i32 to vector<16xi32>
    %and3A_254 = arith.andi %get3A_244, %and3A_253 : vector<16xi32>
    %swap3A_255 = arith.constant 16 : index
    %swap3A_256 = tpu.vector_load %arg12[%swap3A_255] {strides = array<i32>} : memref<128xi32, #tpu.memory_space<vmem>>, vector<16xi32>,
    %swap3A_257 = vector.shape_cast %swap3A_256 : vector<16xi32> to vector<16xi32>
    %swap3A_258 = vector.shape_cast %and3A_254 : vector<16xi32> to vector<16xi32>
    tpu.vector_store %arg12[%swap3A_255], %swap3A_258 {strides = array<i32>} : memref<128xi32, #tpu.memory_space<vmem>>, vector<16xi32>,
    %get3A_259 = arith.constant 1 : i32
    %get3A_260 = arith.index_cast %get3A_259 : i32 to index
    %get3A_261 = arith.constant 32 : index
    %get3A_262 = tpu.vector_load %arg8[%get3A_260, %get3A_261] {strides = array<i32>} : memref<80x128xi32, #tpu.memory_space<vmem>>, vector<1x16xi32>,
    %get3A_263 = vector.shape_cast %get3A_262 : vector<1x16xi32> to vector<16xi32>
    %shift_right_logical3A_264 = arith.constant 14 : i32
    %shift_right_logical3A_265 = vector.broadcast %shift_right_logical3A_264 : i32 to vector<16xi32>
    %shift_right_logical3A_266 = arith.shrui %get3A_263, %shift_right_logical3A_265 : vector<16xi32>
    %swap3A_267 = arith.constant 32 : index
    %swap3A_268 = tpu.vector_load %arg10[%swap3A_267] {strides = array<i32>} : memref<128xi32, #tpu.memory_space<vmem>>, vector<16xi32>,
    %swap3A_269 = vector.shape_cast %swap3A_268 : vector<16xi32> to vector<16xi32>
    %swap3A_270 = vector.shape_cast %shift_right_logical3A_266 : vector<16xi32> to vector<16xi32>
    tpu.vector_store %arg10[%swap3A_267], %swap3A_270 {strides = array<i32>} : memref<128xi32, #tpu.memory_space<vmem>>, vector<16xi32>,
    %and3A_271 = arith.constant 16383 : i32
    %and3A_272 = vector.broadcast %and3A_271 : i32 to vector<16xi32>
    %and3A_273 = arith.andi %get3A_263, %and3A_272 : vector<16xi32>
    %swap3A_274 = arith.constant 32 : index
    %swap3A_275 = tpu.vector_load %arg12[%swap3A_274] {strides = array<i32>} : memref<128xi32, #tpu.memory_space<vmem>>, vector<16xi32>,
    %swap3A_276 = vector.shape_cast %swap3A_275 : vector<16xi32> to vector<16xi32>
    %swap3A_277 = vector.shape_cast %and3A_273 : vector<16xi32> to vector<16xi32>
    tpu.vector_store %arg12[%swap3A_274], %swap3A_277 {strides = array<i32>} : memref<128xi32, #tpu.memory_space<vmem>>, vector<16xi32>,
    %get3A_278 = arith.constant 1 : i32
    %get3A_279 = arith.index_cast %get3A_278 : i32 to index
    %get3A_280 = arith.constant 48 : index
    %get3A_281 = tpu.vector_load %arg8[%get3A_279, %get3A_280] {strides = array<i32>} : memref<80x128xi32, #tpu.memory_space<vmem>>, vector<1x16xi32>,
    %get3A_282 = vector.shape_cast %get3A_281 : vector<1x16xi32> to vector<16xi32>
    %shift_right_logical3A_283 = arith.constant 14 : i32
    %shift_right_logical3A_284 = vector.broadcast %shift_right_logical3A_283 : i32 to vector<16xi32>
    %shift_right_logical3A_285 = arith.shrui %get3A_282, %shift_right_logical3A_284 : vector<16xi32>
    %swap3A_286 = arith.constant 48 : index
    %swap3A_287 = tpu.vector_load %arg10[%swap3A_286] {strides = array<i32>} : memref<128xi32, #tpu.memory_space<vmem>>, vector<16xi32>,
    %swap3A_288 = vector.shape_cast %swap3A_287 : vector<16xi32> to vector<16xi32>
    %swap3A_289 = vector.shape_cast %shift_right_logical3A_285 : vector<16xi32> to vector<16xi32>
    tpu.vector_store %arg10[%swap3A_286], %swap3A_289 {strides = array<i32>} : memref<128xi32, #tpu.memory_space<vmem>>, vector<16xi32>,
    %and3A_290 = arith.constant 16383 : i32
    %and3A_291 = vector.broadcast %and3A_290 : i32 to vector<16xi32>
    %and3A_292 = arith.andi %get3A_282, %and3A_291 : vector<16xi32>
    %swap3A_293 = arith.constant 48 : index
    %swap3A_294 = tpu.vector_load %arg12[%swap3A_293] {strides = array<i32>} : memref<128xi32, #tpu.memory_space<vmem>>, vector<16xi32>,
    %swap3A_295 = vector.shape_cast %swap3A_294 : vector<16xi32> to vector<16xi32>
    %swap3A_296 = vector.shape_cast %and3A_292 : vector<16xi32> to vector<16xi32>
    tpu.vector_store %arg12[%swap3A_293], %swap3A_296 {strides = array<i32>} : memref<128xi32, #tpu.memory_space<vmem>>, vector<16xi32>,
    %get3A_297 = arith.constant 1 : i32
    %get3A_298 = arith.index_cast %get3A_297 : i32 to index
    %get3A_299 = arith.constant 64 : index
    %get3A_300 = tpu.vector_load %arg8[%get3A_298, %get3A_299] {strides = array<i32>} : memref<80x128xi32, #tpu.memory_space<vmem>>, vector<1x16xi32>,
    %get3A_301 = vector.shape_cast %get3A_300 : vector<1x16xi32> to vector<16xi32>
    %shift_right_logical3A_302 = arith.constant 14 : i32
    %shift_right_logical3A_303 = vector.broadcast %shift_right_logical3A_302 : i32 to vector<16xi32>
    %shift_right_logical3A_304 = arith.shrui %get3A_301, %shift_right_logical3A_303 : vector<16xi32>
    %swap3A_305 = arith.constant 64 : index
    %swap3A_306 = tpu.vector_load %arg10[%swap3A_305] {strides = array<i32>} : memref<128xi32, #tpu.memory_space<vmem>>, vector<16xi32>,
    %swap3A_307 = vector.shape_cast %swap3A_306 : vector<16xi32> to vector<16xi32>
    %swap3A_308 = vector.shape_cast %shift_right_logical3A_304 : vector<16xi32> to vector<16xi32>
    tpu.vector_store %arg10[%swap3A_305], %swap3A_308 {strides = array<i32>} : memref<128xi32, #tpu.memory_space<vmem>>, vector<16xi32>,
    %and3A_309 = arith.constant 16383 : i32
    %and3A_310 = vector.broadcast %and3A_309 : i32 to vector<16xi32>
    %and3A_311 = arith.andi %get3A_301, %and3A_310 : vector<16xi32>
    %swap3A_312 = arith.constant 64 : index
    %swap3A_313 = tpu.vector_load %arg12[%swap3A_312] {strides = array<i32>} : memref<128xi32, #tpu.memory_space<vmem>>, vector<16xi32>,
    %swap3A_314 = vector.shape_cast %swap3A_313 : vector<16xi32> to vector<16xi32>
    %swap3A_315 = vector.shape_cast %and3A_311 : vector<16xi32> to vector<16xi32>
    tpu.vector_store %arg12[%swap3A_312], %swap3A_315 {strides = array<i32>} : memref<128xi32, #tpu.memory_space<vmem>>, vector<16xi32>,
    %get3A_316 = arith.constant 1 : i32
    %get3A_317 = arith.index_cast %get3A_316 : i32 to index
    %get3A_318 = arith.constant 80 : index
    %get3A_319 = tpu.vector_load %arg8[%get3A_317, %get3A_318] {strides = array<i32>} : memref<80x128xi32, #tpu.memory_space<vmem>>, vector<1x16xi32>,
    %get3A_320 = vector.shape_cast %get3A_319 : vector<1x16xi32> to vector<16xi32>
    %shift_right_logical3A_321 = arith.constant 14 : i32
    %shift_right_logical3A_322 = vector.broadcast %shift_right_logical3A_321 : i32 to vector<16xi32>
    %shift_right_logical3A_323 = arith.shrui %get3A_320, %shift_right_logical3A_322 : vector<16xi32>
    %swap3A_324 = arith.constant 80 : index
    %swap3A_325 = tpu.vector_load %arg10[%swap3A_324] {strides = array<i32>} : memref<128xi32, #tpu.memory_space<vmem>>, vector<16xi32>,
    %swap3A_326 = vector.shape_cast %swap3A_325 : vector<16xi32> to vector<16xi32>
    %swap3A_327 = vector.shape_cast %shift_right_logical3A_323 : vector<16xi32> to vector<16xi32>
    tpu.vector_store %arg10[%swap3A_324], %swap3A_327 {strides = array<i32>} : memref<128xi32, #tpu.memory_space<vmem>>, vector<16xi32>,
    %and3A_328 = arith.constant 16383 : i32
    %and3A_329 = vector.broadcast %and3A_328 : i32 to vector<16xi32>
    %and3A_330 = arith.andi %get3A_320, %and3A_329 : vector<16xi32>
    %swap3A_331 = arith.constant 80 : index
    %swap3A_332 = tpu.vector_load %arg12[%swap3A_331] {strides = array<i32>} : memref<128xi32, #tpu.memory_space<vmem>>, vector<16xi32>,
    %swap3A_333 = vector.shape_cast %swap3A_332 : vector<16xi32> to vector<16xi32>
    %swap3A_334 = vector.shape_cast %and3A_330 : vector<16xi32> to vector<16xi32>
    tpu.vector_store %arg12[%swap3A_331], %swap3A_334 {strides = array<i32>} : memref<128xi32, #tpu.memory_space<vmem>>, vector<16xi32>,
    %get3A_335 = arith.constant 1 : i32
    %get3A_336 = arith.index_cast %get3A_335 : i32 to index
    %get3A_337 = arith.constant 96 : index
    %get3A_338 = tpu.vector_load %arg8[%get3A_336, %get3A_337] {strides = array<i32>} : memref<80x128xi32, #tpu.memory_space<vmem>>, vector<1x16xi32>,
    %get3A_339 = vector.shape_cast %get3A_338 : vector<1x16xi32> to vector<16xi32>
    %shift_right_logical3A_340 = arith.constant 14 : i32
    %shift_right_logical3A_341 = vector.broadcast %shift_right_logical3A_340 : i32 to vector<16xi32>
    %shift_right_logical3A_342 = arith.shrui %get3A_339, %shift_right_logical3A_341 : vector<16xi32>
    %swap3A_343 = arith.constant 96 : index
    %swap3A_344 = tpu.vector_load %arg10[%swap3A_343] {strides = array<i32>} : memref<128xi32, #tpu.memory_space<vmem>>, vector<16xi32>,
    %swap3A_345 = vector.shape_cast %swap3A_344 : vector<16xi32> to vector<16xi32>
    %swap3A_346 = vector.shape_cast %shift_right_logical3A_342 : vector<16xi32> to vector<16xi32>
    tpu.vector_store %arg10[%swap3A_343], %swap3A_346 {strides = array<i32>} : memref<128xi32, #tpu.memory_space<vmem>>, vector<16xi32>,
    %and3A_347 = arith.constant 16383 : i32
    %and3A_348 = vector.broadcast %and3A_347 : i32 to vector<16xi32>
    %and3A_349 = arith.andi %get3A_339, %and3A_348 : vector<16xi32>
    %swap3A_350 = arith.constant 96 : index
    %swap3A_351 = tpu.vector_load %arg12[%swap3A_350] {strides = array<i32>} : memref<128xi32, #tpu.memory_space<vmem>>, vector<16xi32>,
    %swap3A_352 = vector.shape_cast %swap3A_351 : vector<16xi32> to vector<16xi32>
    %swap3A_353 = vector.shape_cast %and3A_349 : vector<16xi32> to vector<16xi32>
    tpu.vector_store %arg12[%swap3A_350], %swap3A_353 {strides = array<i32>} : memref<128xi32, #tpu.memory_space<vmem>>, vector<16xi32>,
    %get3A_354 = arith.constant 1 : i32
    %get3A_355 = arith.index_cast %get3A_354 : i32 to index
    %get3A_356 = arith.constant 112 : index
    %get3A_357 = tpu.vector_load %arg8[%get3A_355, %get3A_356] {strides = array<i32>} : memref<80x128xi32, #tpu.memory_space<vmem>>, vector<1x16xi32>,
    %get3A_358 = vector.shape_cast %get3A_357 : vector<1x16xi32> to vector<16xi32>
    %shift_right_logical3A_359 = arith.constant 14 : i32
    %shift_right_logical3A_360 = vector.broadcast %shift_right_logical3A_359 : i32 to vector<16xi32>
    %shift_right_logical3A_361 = arith.shrui %get3A_358, %shift_right_logical3A_360 : vector<16xi32>
    %swap3A_362 = arith.constant 112 : index
    %swap3A_363 = tpu.vector_load %arg10[%swap3A_362] {strides = array<i32>} : memref<128xi32, #tpu.memory_space<vmem>>, vector<16xi32>,
    %swap3A_364 = vector.shape_cast %swap3A_363 : vector<16xi32> to vector<16xi32>
    %swap3A_365 = vector.shape_cast %shift_right_logical3A_361 : vector<16xi32> to vector<16xi32>
    tpu.vector_store %arg10[%swap3A_362], %swap3A_365 {strides = array<i32>} : memref<128xi32, #tpu.memory_space<vmem>>, vector<16xi32>,
    %and3A_366 = arith.constant 16383 : i32
    %and3A_367 = vector.broadcast %and3A_366 : i32 to vector<16xi32>
    %and3A_368 = arith.andi %get3A_358, %and3A_367 : vector<16xi32>
    %swap3A_369 = arith.constant 112 : index
    %swap3A_370 = tpu.vector_load %arg12[%swap3A_369] {strides = array<i32>} : memref<128xi32, #tpu.memory_space<vmem>>, vector<16xi32>,
    %swap3A_371 = vector.shape_cast %swap3A_370 : vector<16xi32> to vector<16xi32>
    %swap3A_372 = vector.shape_cast %and3A_368 : vector<16xi32> to vector<16xi32>
    tpu.vector_store %arg12[%swap3A_369], %swap3A_372 {strides = array<i32>} : memref<128xi32, #tpu.memory_space<vmem>>, vector<16xi32>,
    %dma_start3A_373 = arith.constant 0 : i32
    %dma_start3A_374 = arith.constant 0 : i32
    %dma_start3A_375 = tpu.memref_slice %arg14[%dma_start3A_373, %dma_start3A_374] : memref<128x128xf32, #tpu.memory_space<vmem>> -> memref<64x128xf32, #tpu.memory_space<vmem>>
    %dma_start3A_376 = arith.constant 0 : i32
    %dma_start3A_377 = tpu.memref_slice %arg12[%dma_start3A_376] : memref<128xi32, #tpu.memory_space<vmem>> -> memref<64xi32, #tpu.memory_space<vmem>>
    %dma_start3A_378 = arith.constant 0 : i32
    %dma_start3A_379 = arith.constant 0 : i32
    %dma_start3A_380 = tpu.memref_slice %arg2[%dma_start3A_378, %dma_start3A_379] : memref<10000x128xf32, #tpu.memory_space<hbm>> -> memref<10000x128xf32, #tpu.memory_space<hbm>>
    tpu.enqueue_indirect_dma source(%dma_start3A_380 : memref<10000x128xf32, #tpu.memory_space<hbm>>) target(%dma_start3A_375 : memref<64x128xf32, #tpu.memory_space<vmem>>) offsets(%dma_start3A_377 : memref<64xi32, #tpu.memory_space<vmem>>) semaphore(%arg19 : memref<!tpu.dma_semaphore, #tpu.memory_space<semaphore_mem>>)
    %dma_start3A_381 = arith.constant 64 : i32
    %dma_start3A_382 = arith.constant 0 : i32
    %dma_start3A_383 = tpu.memref_slice %arg14[%dma_start3A_381, %dma_start3A_382] : memref<128x128xf32, #tpu.memory_space<vmem>> -> memref<64x128xf32, #tpu.memory_space<vmem>>
    %dma_start3A_384 = arith.constant 64 : i32
    %dma_start3A_385 = tpu.memref_slice %arg12[%dma_start3A_384] : memref<128xi32, #tpu.memory_space<vmem>> -> memref<64xi32, #tpu.memory_space<vmem>>
    %dma_start3A_386 = arith.constant 0 : i32
    %dma_start3A_387 = arith.constant 0 : i32
    %dma_start3A_388 = tpu.memref_slice %arg2[%dma_start3A_386, %dma_start3A_387] : memref<10000x128xf32, #tpu.memory_space<hbm>> -> memref<10000x128xf32, #tpu.memory_space<hbm>>
    tpu.enqueue_indirect_dma source(%dma_start3A_388 : memref<10000x128xf32, #tpu.memory_space<hbm>>) target(%dma_start3A_383 : memref<64x128xf32, #tpu.memory_space<vmem>>) offsets(%dma_start3A_385 : memref<64xi32, #tpu.memory_space<vmem>>) semaphore(%arg21 : memref<!tpu.dma_semaphore, #tpu.memory_space<semaphore_mem>>)
    %scan3A = arith.constant 0 : i32
    %scan3A_389 = arith.constant 0 : i32
    %scan3A_390 = arith.constant 40 : i32
    %scan3A_391 = arith.addi %scan3A_389, %scan3A_390 : i32
    %scan3A_392 = arith.constant 1 : i32
    scf.for %scan3A_434 = %scan3A_389 to %scan3A_391 step %scan3A_392  : i32 {
      %mul3A_435 = arith.constant 2 : i32
      %mul3A_436 = arith.muli %mul3A_435, %scan3A_434 : i32
      %add3A_437 = arith.constant 0 : i32
      %add3A_438 = arith.addi %mul3A_436, %add3A_437 : i32
      %dma_wait3A_439 = arith.constant 0 : i32
      %dma_wait3A_440 = arith.constant 0 : i32
      %dma_wait3A_441 = tpu.memref_slice %arg13[%dma_wait3A_439, %dma_wait3A_440] : memref<128x128xf32, #tpu.memory_space<vmem>> -> memref<64x128xf32, #tpu.memory_space<vmem>>
      %dma_wait3A_442 = arith.constant 0 : i32
      %dma_wait3A_443 = tpu.memref_slice %arg11[%dma_wait3A_442] : memref<128xi32, #tpu.memory_space<vmem>> -> memref<64xi32, #tpu.memory_space<vmem>>
      %dma_wait3A_444 = arith.constant 0 : i32
      %dma_wait3A_445 = arith.constant 0 : i32
      %dma_wait3A_446 = tpu.memref_slice %arg2[%dma_wait3A_444, %dma_wait3A_445] : memref<10000x128xf32, #tpu.memory_space<hbm>> -> memref<10000x128xf32, #tpu.memory_space<hbm>>
      tpu.wait_indirect_dma semaphore(%arg18 : memref<!tpu.dma_semaphore, #tpu.memory_space<semaphore_mem>>) src(%dma_wait3A_446 : memref<10000x128xf32, #tpu.memory_space<hbm>>) dst(%dma_wait3A_441 : memref<64x128xf32, #tpu.memory_space<vmem>>)
      %dma_wait3A_447 = arith.constant 64 : i32
      %dma_wait3A_448 = arith.constant 0 : i32
      %dma_wait3A_449 = tpu.memref_slice %arg13[%dma_wait3A_447, %dma_wait3A_448] : memref<128x128xf32, #tpu.memory_space<vmem>> -> memref<64x128xf32, #tpu.memory_space<vmem>>
      %dma_wait3A_450 = arith.constant 64 : i32
      %dma_wait3A_451 = tpu.memref_slice %arg11[%dma_wait3A_450] : memref<128xi32, #tpu.memory_space<vmem>> -> memref<64xi32, #tpu.memory_space<vmem>>
      %dma_wait3A_452 = arith.constant 0 : i32
      %dma_wait3A_453 = arith.constant 0 : i32
      %dma_wait3A_454 = tpu.memref_slice %arg2[%dma_wait3A_452, %dma_wait3A_453] : memref<10000x128xf32, #tpu.memory_space<hbm>> -> memref<10000x128xf32, #tpu.memory_space<hbm>>
      tpu.wait_indirect_dma semaphore(%arg20 : memref<!tpu.dma_semaphore, #tpu.memory_space<semaphore_mem>>) src(%dma_wait3A_454 : memref<10000x128xf32, #tpu.memory_space<hbm>>) dst(%dma_wait3A_449 : memref<64x128xf32, #tpu.memory_space<vmem>>)
      %dma_start3A_455 = arith.constant 0 : i32
      %dma_start3A_456 = tpu.memref_slice %arg17[%dma_start3A_455] : memref<10240xf32, #tpu.memory_space<vmem_shared>> -> memref<10240xf32, #tpu.memory_space<vmem_shared>>
      tpu.enqueue_indirect_dma source(%arg15 : memref<128xf32, #tpu.memory_space<vmem>>) target(%dma_start3A_456 : memref<10240xf32, #tpu.memory_space<vmem_shared>>) offsets(%arg9 : memref<128xi32, #tpu.memory_space<vmem>>) semaphore(%arg22 : memref<!tpu.dma_semaphore, #tpu.memory_space<semaphore_mem>>) {add = true}
      "tpu.region"() ({
        %run_scoped3A = tpu.sem_alloc : memref<!tpu.dma_semaphore, #tpu.memory_space<semaphore_mem>>
        %dma_start3A_808 = arith.constant 0 : i32
        %dma_start3A_809 = arith.constant 0 : i32
        %dma_start3A_810 = tpu.memref_slice %arg16[%dma_start3A_808, %dma_start3A_809] : memref<10240x128xf32, #tpu.memory_space<vmem_shared>> -> memref<10240x128xf32, #tpu.memory_space<vmem_shared>>
        tpu.enqueue_indirect_dma source(%arg13 : memref<128x128xf32, #tpu.memory_space<vmem>>) target(%dma_start3A_810 : memref<10240x128xf32, #tpu.memory_space<vmem_shared>>) offsets(%arg9 : memref<128xi32, #tpu.memory_space<vmem>>) semaphore(%run_scoped3A : memref<!tpu.dma_semaphore, #tpu.memory_space<semaphore_mem>>) {add = true}
        %dma_wait3A_811 = arith.constant 0 : i32
        %dma_wait3A_812 = arith.constant 0 : i32
        %dma_wait3A_813 = tpu.memref_slice %arg16[%dma_wait3A_811, %dma_wait3A_812] : memref<10240x128xf32, #tpu.memory_space<vmem_shared>> -> memref<10240x128xf32, #tpu.memory_space<vmem_shared>>
        tpu.wait_indirect_dma semaphore(%run_scoped3A : memref<!tpu.dma_semaphore, #tpu.memory_space<semaphore_mem>>) src(%arg13 : memref<128x128xf32, #tpu.memory_space<vmem>>) dst(%dma_wait3A_813 : memref<10240x128xf32, #tpu.memory_space<vmem_shared>>)
        tpu.yield
      }) : () -> ()
      %dma_wait3A_457 = arith.constant 0 : i32
      %dma_wait3A_458 = tpu.memref_slice %arg17[%dma_wait3A_457] : memref<10240xf32, #tpu.memory_space<vmem_shared>> -> memref<10240xf32, #tpu.memory_space<vmem_shared>>
      tpu.wait_indirect_dma semaphore(%arg22 : memref<!tpu.dma_semaphore, #tpu.memory_space<semaphore_mem>>) src(%arg15 : memref<128xf32, #tpu.memory_space<vmem>>) dst(%dma_wait3A_458 : memref<10240xf32, #tpu.memory_space<vmem_shared>>)
      %add3A_459 = arith.constant 2 : i32
      %add3A_460 = arith.addi %add3A_438, %add3A_459 : i32
      %rem3A = arith.constant 80 : i32
      %rem3A_461 = arith.remsi %add3A_460, %rem3A : i32
      %get3A_462 = arith.index_cast %rem3A_461 : i32 to index
      %get3A_463 = arith.constant 0 : index
      %get3A_464 = tpu.vector_load %arg8[%get3A_462, %get3A_463] {strides = array<i32>} : memref<80x128xi32, #tpu.memory_space<vmem>>, vector<1x16xi32>,
      %get3A_465 = vector.shape_cast %get3A_464 : vector<1x16xi32> to vector<16xi32>
      %shift_right_logical3A_466 = arith.constant 14 : i32
      %shift_right_logical3A_467 = vector.broadcast %shift_right_logical3A_466 : i32 to vector<16xi32>
      %shift_right_logical3A_468 = arith.shrui %get3A_465, %shift_right_logical3A_467 : vector<16xi32>
      %swap3A_469 = arith.constant 0 : index
      %swap3A_470 = tpu.vector_load %arg9[%swap3A_469] {strides = array<i32>} : memref<128xi32, #tpu.memory_space<vmem>>, vector<16xi32>,
      %swap3A_471 = vector.shape_cast %swap3A_470 : vector<16xi32> to vector<16xi32>
      %swap3A_472 = vector.shape_cast %shift_right_logical3A_468 : vector<16xi32> to vector<16xi32>
      tpu.vector_store %arg9[%swap3A_469], %swap3A_472 {strides = array<i32>} : memref<128xi32, #tpu.memory_space<vmem>>, vector<16xi32>,
      %and3A_473 = arith.constant 16383 : i32
      %and3A_474 = vector.broadcast %and3A_473 : i32 to vector<16xi32>
      %and3A_475 = arith.andi %get3A_465, %and3A_474 : vector<16xi32>
      %swap3A_476 = arith.constant 0 : index
      %swap3A_477 = tpu.vector_load %arg11[%swap3A_476] {strides = array<i32>} : memref<128xi32, #tpu.memory_space<vmem>>, vector<16xi32>,
      %swap3A_478 = vector.shape_cast %swap3A_477 : vector<16xi32> to vector<16xi32>
      %swap3A_479 = vector.shape_cast %and3A_475 : vector<16xi32> to vector<16xi32>
      tpu.vector_store %arg11[%swap3A_476], %swap3A_479 {strides = array<i32>} : memref<128xi32, #tpu.memory_space<vmem>>, vector<16xi32>,
      %get3A_480 = arith.index_cast %rem3A_461 : i32 to index
      %get3A_481 = arith.constant 16 : index
      %get3A_482 = tpu.vector_load %arg8[%get3A_480, %get3A_481] {strides = array<i32>} : memref<80x128xi32, #tpu.memory_space<vmem>>, vector<1x16xi32>,
      %get3A_483 = vector.shape_cast %get3A_482 : vector<1x16xi32> to vector<16xi32>
      %shift_right_logical3A_484 = arith.constant 14 : i32
      %shift_right_logical3A_485 = vector.broadcast %shift_right_logical3A_484 : i32 to vector<16xi32>
      %shift_right_logical3A_486 = arith.shrui %get3A_483, %shift_right_logical3A_485 : vector<16xi32>
      %swap3A_487 = arith.constant 16 : index
      %swap3A_488 = tpu.vector_load %arg9[%swap3A_487] {strides = array<i32>} : memref<128xi32, #tpu.memory_space<vmem>>, vector<16xi32>,
      %swap3A_489 = vector.shape_cast %swap3A_488 : vector<16xi32> to vector<16xi32>
      %swap3A_490 = vector.shape_cast %shift_right_logical3A_486 : vector<16xi32> to vector<16xi32>
      tpu.vector_store %arg9[%swap3A_487], %swap3A_490 {strides = array<i32>} : memref<128xi32, #tpu.memory_space<vmem>>, vector<16xi32>,
      %and3A_491 = arith.constant 16383 : i32
      %and3A_492 = vector.broadcast %and3A_491 : i32 to vector<16xi32>
      %and3A_493 = arith.andi %get3A_483, %and3A_492 : vector<16xi32>
      %swap3A_494 = arith.constant 16 : index
      %swap3A_495 = tpu.vector_load %arg11[%swap3A_494] {strides = array<i32>} : memref<128xi32, #tpu.memory_space<vmem>>, vector<16xi32>,
      %swap3A_496 = vector.shape_cast %swap3A_495 : vector<16xi32> to vector<16xi32>
      %swap3A_497 = vector.shape_cast %and3A_493 : vector<16xi32> to vector<16xi32>
      tpu.vector_store %arg11[%swap3A_494], %swap3A_497 {strides = array<i32>} : memref<128xi32, #tpu.memory_space<vmem>>, vector<16xi32>,
      %get3A_498 = arith.index_cast %rem3A_461 : i32 to index
      %get3A_499 = arith.constant 32 : index
      %get3A_500 = tpu.vector_load %arg8[%get3A_498, %get3A_499] {strides = array<i32>} : memref<80x128xi32, #tpu.memory_space<vmem>>, vector<1x16xi32>,
      %get3A_501 = vector.shape_cast %get3A_500 : vector<1x16xi32> to vector<16xi32>
      %shift_right_logical3A_502 = arith.constant 14 : i32
      %shift_right_logical3A_503 = vector.broadcast %shift_right_logical3A_502 : i32 to vector<16xi32>
      %shift_right_logical3A_504 = arith.shrui %get3A_501, %shift_right_logical3A_503 : vector<16xi32>
      %swap3A_505 = arith.constant 32 : index
      %swap3A_506 = tpu.vector_load %arg9[%swap3A_505] {strides = array<i32>} : memref<128xi32, #tpu.memory_space<vmem>>, vector<16xi32>,
      %swap3A_507 = vector.shape_cast %swap3A_506 : vector<16xi32> to vector<16xi32>
      %swap3A_508 = vector.shape_cast %shift_right_logical3A_504 : vector<16xi32> to vector<16xi32>
      tpu.vector_store %arg9[%swap3A_505], %swap3A_508 {strides = array<i32>} : memref<128xi32, #tpu.memory_space<vmem>>, vector<16xi32>,
      %and3A_509 = arith.constant 16383 : i32
      %and3A_510 = vector.broadcast %and3A_509 : i32 to vector<16xi32>
      %and3A_511 = arith.andi %get3A_501, %and3A_510 : vector<16xi32>
      %swap3A_512 = arith.constant 32 : index
      %swap3A_513 = tpu.vector_load %arg11[%swap3A_512] {strides = array<i32>} : memref<128xi32, #tpu.memory_space<vmem>>, vector<16xi32>,
      %swap3A_514 = vector.shape_cast %swap3A_513 : vector<16xi32> to vector<16xi32>
      %swap3A_515 = vector.shape_cast %and3A_511 : vector<16xi32> to vector<16xi32>
      tpu.vector_store %arg11[%swap3A_512], %swap3A_515 {strides = array<i32>} : memref<128xi32, #tpu.memory_space<vmem>>, vector<16xi32>,
      %get3A_516 = arith.index_cast %rem3A_461 : i32 to index
      %get3A_517 = arith.constant 48 : index
      %get3A_518 = tpu.vector_load %arg8[%get3A_516, %get3A_517] {strides = array<i32>} : memref<80x128xi32, #tpu.memory_space<vmem>>, vector<1x16xi32>,
      %get3A_519 = vector.shape_cast %get3A_518 : vector<1x16xi32> to vector<16xi32>
      %shift_right_logical3A_520 = arith.constant 14 : i32
      %shift_right_logical3A_521 = vector.broadcast %shift_right_logical3A_520 : i32 to vector<16xi32>
      %shift_right_logical3A_522 = arith.shrui %get3A_519, %shift_right_logical3A_521 : vector<16xi32>
      %swap3A_523 = arith.constant 48 : index
      %swap3A_524 = tpu.vector_load %arg9[%swap3A_523] {strides = array<i32>} : memref<128xi32, #tpu.memory_space<vmem>>, vector<16xi32>,
      %swap3A_525 = vector.shape_cast %swap3A_524 : vector<16xi32> to vector<16xi32>
      %swap3A_526 = vector.shape_cast %shift_right_logical3A_522 : vector<16xi32> to vector<16xi32>
      tpu.vector_store %arg9[%swap3A_523], %swap3A_526 {strides = array<i32>} : memref<128xi32, #tpu.memory_space<vmem>>, vector<16xi32>,
      %and3A_527 = arith.constant 16383 : i32
      %and3A_528 = vector.broadcast %and3A_527 : i32 to vector<16xi32>
      %and3A_529 = arith.andi %get3A_519, %and3A_528 : vector<16xi32>
      %swap3A_530 = arith.constant 48 : index
      %swap3A_531 = tpu.vector_load %arg11[%swap3A_530] {strides = array<i32>} : memref<128xi32, #tpu.memory_space<vmem>>, vector<16xi32>,
      %swap3A_532 = vector.shape_cast %swap3A_531 : vector<16xi32> to vector<16xi32>
      %swap3A_533 = vector.shape_cast %and3A_529 : vector<16xi32> to vector<16xi32>
      tpu.vector_store %arg11[%swap3A_530], %swap3A_533 {strides = array<i32>} : memref<128xi32, #tpu.memory_space<vmem>>, vector<16xi32>,
      %get3A_534 = arith.index_cast %rem3A_461 : i32 to index
      %get3A_535 = arith.constant 64 : index
      %get3A_536 = tpu.vector_load %arg8[%get3A_534, %get3A_535] {strides = array<i32>} : memref<80x128xi32, #tpu.memory_space<vmem>>, vector<1x16xi32>,
      %get3A_537 = vector.shape_cast %get3A_536 : vector<1x16xi32> to vector<16xi32>
      %shift_right_logical3A_538 = arith.constant 14 : i32
      %shift_right_logical3A_539 = vector.broadcast %shift_right_logical3A_538 : i32 to vector<16xi32>
      %shift_right_logical3A_540 = arith.shrui %get3A_537, %shift_right_logical3A_539 : vector<16xi32>
      %swap3A_541 = arith.constant 64 : index
      %swap3A_542 = tpu.vector_load %arg9[%swap3A_541] {strides = array<i32>} : memref<128xi32, #tpu.memory_space<vmem>>, vector<16xi32>,
      %swap3A_543 = vector.shape_cast %swap3A_542 : vector<16xi32> to vector<16xi32>
      %swap3A_544 = vector.shape_cast %shift_right_logical3A_540 : vector<16xi32> to vector<16xi32>
      tpu.vector_store %arg9[%swap3A_541], %swap3A_544 {strides = array<i32>} : memref<128xi32, #tpu.memory_space<vmem>>, vector<16xi32>,
      %and3A_545 = arith.constant 16383 : i32
      %and3A_546 = vector.broadcast %and3A_545 : i32 to vector<16xi32>
      %and3A_547 = arith.andi %get3A_537, %and3A_546 : vector<16xi32>
      %swap3A_548 = arith.constant 64 : index
      %swap3A_549 = tpu.vector_load %arg11[%swap3A_548] {strides = array<i32>} : memref<128xi32, #tpu.memory_space<vmem>>, vector<16xi32>,
      %swap3A_550 = vector.shape_cast %swap3A_549 : vector<16xi32> to vector<16xi32>
      %swap3A_551 = vector.shape_cast %and3A_547 : vector<16xi32> to vector<16xi32>
      tpu.vector_store %arg11[%swap3A_548], %swap3A_551 {strides = array<i32>} : memref<128xi32, #tpu.memory_space<vmem>>, vector<16xi32>,
      %get3A_552 = arith.index_cast %rem3A_461 : i32 to index
      %get3A_553 = arith.constant 80 : index
      %get3A_554 = tpu.vector_load %arg8[%get3A_552, %get3A_553] {strides = array<i32>} : memref<80x128xi32, #tpu.memory_space<vmem>>, vector<1x16xi32>,
      %get3A_555 = vector.shape_cast %get3A_554 : vector<1x16xi32> to vector<16xi32>
      %shift_right_logical3A_556 = arith.constant 14 : i32
      %shift_right_logical3A_557 = vector.broadcast %shift_right_logical3A_556 : i32 to vector<16xi32>
      %shift_right_logical3A_558 = arith.shrui %get3A_555, %shift_right_logical3A_557 : vector<16xi32>
      %swap3A_559 = arith.constant 80 : index
      %swap3A_560 = tpu.vector_load %arg9[%swap3A_559] {strides = array<i32>} : memref<128xi32, #tpu.memory_space<vmem>>, vector<16xi32>,
      %swap3A_561 = vector.shape_cast %swap3A_560 : vector<16xi32> to vector<16xi32>
      %swap3A_562 = vector.shape_cast %shift_right_logical3A_558 : vector<16xi32> to vector<16xi32>
      tpu.vector_store %arg9[%swap3A_559], %swap3A_562 {strides = array<i32>} : memref<128xi32, #tpu.memory_space<vmem>>, vector<16xi32>,
      %and3A_563 = arith.constant 16383 : i32
      %and3A_564 = vector.broadcast %and3A_563 : i32 to vector<16xi32>
      %and3A_565 = arith.andi %get3A_555, %and3A_564 : vector<16xi32>
      %swap3A_566 = arith.constant 80 : index
      %swap3A_567 = tpu.vector_load %arg11[%swap3A_566] {strides = array<i32>} : memref<128xi32, #tpu.memory_space<vmem>>, vector<16xi32>,
      %swap3A_568 = vector.shape_cast %swap3A_567 : vector<16xi32> to vector<16xi32>
      %swap3A_569 = vector.shape_cast %and3A_565 : vector<16xi32> to vector<16xi32>
      tpu.vector_store %arg11[%swap3A_566], %swap3A_569 {strides = array<i32>} : memref<128xi32, #tpu.memory_space<vmem>>, vector<16xi32>,
      %get3A_570 = arith.index_cast %rem3A_461 : i32 to index
      %get3A_571 = arith.constant 96 : index
      %get3A_572 = tpu.vector_load %arg8[%get3A_570, %get3A_571] {strides = array<i32>} : memref<80x128xi32, #tpu.memory_space<vmem>>, vector<1x16xi32>,
      %get3A_573 = vector.shape_cast %get3A_572 : vector<1x16xi32> to vector<16xi32>
      %shift_right_logical3A_574 = arith.constant 14 : i32
      %shift_right_logical3A_575 = vector.broadcast %shift_right_logical3A_574 : i32 to vector<16xi32>
      %shift_right_logical3A_576 = arith.shrui %get3A_573, %shift_right_logical3A_575 : vector<16xi32>
      %swap3A_577 = arith.constant 96 : index
      %swap3A_578 = tpu.vector_load %arg9[%swap3A_577] {strides = array<i32>} : memref<128xi32, #tpu.memory_space<vmem>>, vector<16xi32>,
      %swap3A_579 = vector.shape_cast %swap3A_578 : vector<16xi32> to vector<16xi32>
      %swap3A_580 = vector.shape_cast %shift_right_logical3A_576 : vector<16xi32> to vector<16xi32>
      tpu.vector_store %arg9[%swap3A_577], %swap3A_580 {strides = array<i32>} : memref<128xi32, #tpu.memory_space<vmem>>, vector<16xi32>,
      %and3A_581 = arith.constant 16383 : i32
      %and3A_582 = vector.broadcast %and3A_581 : i32 to vector<16xi32>
      %and3A_583 = arith.andi %get3A_573, %and3A_582 : vector<16xi32>
      %swap3A_584 = arith.constant 96 : index
      %swap3A_585 = tpu.vector_load %arg11[%swap3A_584] {strides = array<i32>} : memref<128xi32, #tpu.memory_space<vmem>>, vector<16xi32>,
      %swap3A_586 = vector.shape_cast %swap3A_585 : vector<16xi32> to vector<16xi32>
      %swap3A_587 = vector.shape_cast %and3A_583 : vector<16xi32> to vector<16xi32>
      tpu.vector_store %arg11[%swap3A_584], %swap3A_587 {strides = array<i32>} : memref<128xi32, #tpu.memory_space<vmem>>, vector<16xi32>,
      %get3A_588 = arith.index_cast %rem3A_461 : i32 to index
      %get3A_589 = arith.constant 112 : index
      %get3A_590 = tpu.vector_load %arg8[%get3A_588, %get3A_589] {strides = array<i32>} : memref<80x128xi32, #tpu.memory_space<vmem>>, vector<1x16xi32>,
      %get3A_591 = vector.shape_cast %get3A_590 : vector<1x16xi32> to vector<16xi32>
      %shift_right_logical3A_592 = arith.constant 14 : i32
      %shift_right_logical3A_593 = vector.broadcast %shift_right_logical3A_592 : i32 to vector<16xi32>
      %shift_right_logical3A_594 = arith.shrui %get3A_591, %shift_right_logical3A_593 : vector<16xi32>
      %swap3A_595 = arith.constant 112 : index
      %swap3A_596 = tpu.vector_load %arg9[%swap3A_595] {strides = array<i32>} : memref<128xi32, #tpu.memory_space<vmem>>, vector<16xi32>,
      %swap3A_597 = vector.shape_cast %swap3A_596 : vector<16xi32> to vector<16xi32>
      %swap3A_598 = vector.shape_cast %shift_right_logical3A_594 : vector<16xi32> to vector<16xi32>
      tpu.vector_store %arg9[%swap3A_595], %swap3A_598 {strides = array<i32>} : memref<128xi32, #tpu.memory_space<vmem>>, vector<16xi32>,
      %and3A_599 = arith.constant 16383 : i32
      %and3A_600 = vector.broadcast %and3A_599 : i32 to vector<16xi32>
      %and3A_601 = arith.andi %get3A_591, %and3A_600 : vector<16xi32>
      %swap3A_602 = arith.constant 112 : index
      %swap3A_603 = tpu.vector_load %arg11[%swap3A_602] {strides = array<i32>} : memref<128xi32, #tpu.memory_space<vmem>>, vector<16xi32>,
      %swap3A_604 = vector.shape_cast %swap3A_603 : vector<16xi32> to vector<16xi32>
      %swap3A_605 = vector.shape_cast %and3A_601 : vector<16xi32> to vector<16xi32>
      tpu.vector_store %arg11[%swap3A_602], %swap3A_605 {strides = array<i32>} : memref<128xi32, #tpu.memory_space<vmem>>, vector<16xi32>,
      %dma_start3A_606 = arith.constant 0 : i32
      %dma_start3A_607 = arith.constant 0 : i32
      %dma_start3A_608 = tpu.memref_slice %arg13[%dma_start3A_606, %dma_start3A_607] : memref<128x128xf32, #tpu.memory_space<vmem>> -> memref<64x128xf32, #tpu.memory_space<vmem>>
      %dma_start3A_609 = arith.constant 0 : i32
      %dma_start3A_610 = tpu.memref_slice %arg11[%dma_start3A_609] : memref<128xi32, #tpu.memory_space<vmem>> -> memref<64xi32, #tpu.memory_space<vmem>>
      %dma_start3A_611 = arith.constant 0 : i32
      %dma_start3A_612 = arith.constant 0 : i32
      %dma_start3A_613 = tpu.memref_slice %arg2[%dma_start3A_611, %dma_start3A_612] : memref<10000x128xf32, #tpu.memory_space<hbm>> -> memref<10000x128xf32, #tpu.memory_space<hbm>>
      tpu.enqueue_indirect_dma source(%dma_start3A_613 : memref<10000x128xf32, #tpu.memory_space<hbm>>) target(%dma_start3A_608 : memref<64x128xf32, #tpu.memory_space<vmem>>) offsets(%dma_start3A_610 : memref<64xi32, #tpu.memory_space<vmem>>) semaphore(%arg18 : memref<!tpu.dma_semaphore, #tpu.memory_space<semaphore_mem>>)
      %dma_start3A_614 = arith.constant 64 : i32
      %dma_start3A_615 = arith.constant 0 : i32
      %dma_start3A_616 = tpu.memref_slice %arg13[%dma_start3A_614, %dma_start3A_615] : memref<128x128xf32, #tpu.memory_space<vmem>> -> memref<64x128xf32, #tpu.memory_space<vmem>>
      %dma_start3A_617 = arith.constant 64 : i32
      %dma_start3A_618 = tpu.memref_slice %arg11[%dma_start3A_617] : memref<128xi32, #tpu.memory_space<vmem>> -> memref<64xi32, #tpu.memory_space<vmem>>
      %dma_start3A_619 = arith.constant 0 : i32
      %dma_start3A_620 = arith.constant 0 : i32
      %dma_start3A_621 = tpu.memref_slice %arg2[%dma_start3A_619, %dma_start3A_620] : memref<10000x128xf32, #tpu.memory_space<hbm>> -> memref<10000x128xf32, #tpu.memory_space<hbm>>
      tpu.enqueue_indirect_dma source(%dma_start3A_621 : memref<10000x128xf32, #tpu.memory_space<hbm>>) target(%dma_start3A_616 : memref<64x128xf32, #tpu.memory_space<vmem>>) offsets(%dma_start3A_618 : memref<64xi32, #tpu.memory_space<vmem>>) semaphore(%arg20 : memref<!tpu.dma_semaphore, #tpu.memory_space<semaphore_mem>>)
      %add3A_622 = arith.constant 1 : i32
      %add3A_623 = arith.addi %mul3A_436, %add3A_622 : i32
      %dma_wait3A_624 = arith.constant 0 : i32
      %dma_wait3A_625 = arith.constant 0 : i32
      %dma_wait3A_626 = tpu.memref_slice %arg14[%dma_wait3A_624, %dma_wait3A_625] : memref<128x128xf32, #tpu.memory_space<vmem>> -> memref<64x128xf32, #tpu.memory_space<vmem>>
      %dma_wait3A_627 = arith.constant 0 : i32
      %dma_wait3A_628 = tpu.memref_slice %arg12[%dma_wait3A_627] : memref<128xi32, #tpu.memory_space<vmem>> -> memref<64xi32, #tpu.memory_space<vmem>>
      %dma_wait3A_629 = arith.constant 0 : i32
      %dma_wait3A_630 = arith.constant 0 : i32
      %dma_wait3A_631 = tpu.memref_slice %arg2[%dma_wait3A_629, %dma_wait3A_630] : memref<10000x128xf32, #tpu.memory_space<hbm>> -> memref<10000x128xf32, #tpu.memory_space<hbm>>
      tpu.wait_indirect_dma semaphore(%arg19 : memref<!tpu.dma_semaphore, #tpu.memory_space<semaphore_mem>>) src(%dma_wait3A_631 : memref<10000x128xf32, #tpu.memory_space<hbm>>) dst(%dma_wait3A_626 : memref<64x128xf32, #tpu.memory_space<vmem>>)
      %dma_wait3A_632 = arith.constant 64 : i32
      %dma_wait3A_633 = arith.constant 0 : i32
      %dma_wait3A_634 = tpu.memref_slice %arg14[%dma_wait3A_632, %dma_wait3A_633] : memref<128x128xf32, #tpu.memory_space<vmem>> -> memref<64x128xf32, #tpu.memory_space<vmem>>
      %dma_wait3A_635 = arith.constant 64 : i32
      %dma_wait3A_636 = tpu.memref_slice %arg12[%dma_wait3A_635] : memref<128xi32, #tpu.memory_space<vmem>> -> memref<64xi32, #tpu.memory_space<vmem>>
      %dma_wait3A_637 = arith.constant 0 : i32
      %dma_wait3A_638 = arith.constant 0 : i32
      %dma_wait3A_639 = tpu.memref_slice %arg2[%dma_wait3A_637, %dma_wait3A_638] : memref<10000x128xf32, #tpu.memory_space<hbm>> -> memref<10000x128xf32, #tpu.memory_space<hbm>>
      tpu.wait_indirect_dma semaphore(%arg21 : memref<!tpu.dma_semaphore, #tpu.memory_space<semaphore_mem>>) src(%dma_wait3A_639 : memref<10000x128xf32, #tpu.memory_space<hbm>>) dst(%dma_wait3A_634 : memref<64x128xf32, #tpu.memory_space<vmem>>)
      %dma_start3A_640 = arith.constant 0 : i32
      %dma_start3A_641 = tpu.memref_slice %arg17[%dma_start3A_640] : memref<10240xf32, #tpu.memory_space<vmem_shared>> -> memref<10240xf32, #tpu.memory_space<vmem_shared>>
      tpu.enqueue_indirect_dma source(%arg15 : memref<128xf32, #tpu.memory_space<vmem>>) target(%dma_start3A_641 : memref<10240xf32, #tpu.memory_space<vmem_shared>>) offsets(%arg10 : memref<128xi32, #tpu.memory_space<vmem>>) semaphore(%arg23 : memref<!tpu.dma_semaphore, #tpu.memory_space<semaphore_mem>>) {add = true}
      "tpu.region"() ({
        %run_scoped3A = tpu.sem_alloc : memref<!tpu.dma_semaphore, #tpu.memory_space<semaphore_mem>>
        %dma_start3A_808 = arith.constant 0 : i32
        %dma_start3A_809 = arith.constant 0 : i32
        %dma_start3A_810 = tpu.memref_slice %arg16[%dma_start3A_808, %dma_start3A_809] : memref<10240x128xf32, #tpu.memory_space<vmem_shared>> -> memref<10240x128xf32, #tpu.memory_space<vmem_shared>>
        tpu.enqueue_indirect_dma source(%arg14 : memref<128x128xf32, #tpu.memory_space<vmem>>) target(%dma_start3A_810 : memref<10240x128xf32, #tpu.memory_space<vmem_shared>>) offsets(%arg10 : memref<128xi32, #tpu.memory_space<vmem>>) semaphore(%run_scoped3A : memref<!tpu.dma_semaphore, #tpu.memory_space<semaphore_mem>>) {add = true}
        %dma_wait3A_811 = arith.constant 0 : i32
        %dma_wait3A_812 = arith.constant 0 : i32
        %dma_wait3A_813 = tpu.memref_slice %arg16[%dma_wait3A_811, %dma_wait3A_812] : memref<10240x128xf32, #tpu.memory_space<vmem_shared>> -> memref<10240x128xf32, #tpu.memory_space<vmem_shared>>
        tpu.wait_indirect_dma semaphore(%run_scoped3A : memref<!tpu.dma_semaphore, #tpu.memory_space<semaphore_mem>>) src(%arg14 : memref<128x128xf32, #tpu.memory_space<vmem>>) dst(%dma_wait3A_813 : memref<10240x128xf32, #tpu.memory_space<vmem_shared>>)
        tpu.yield
      }) : () -> ()
      %dma_wait3A_642 = arith.constant 0 : i32
      %dma_wait3A_643 = tpu.memref_slice %arg17[%dma_wait3A_642] : memref<10240xf32, #tpu.memory_space<vmem_shared>> -> memref<10240xf32, #tpu.memory_space<vmem_shared>>
      tpu.wait_indirect_dma semaphore(%arg23 : memref<!tpu.dma_semaphore, #tpu.memory_space<semaphore_mem>>) src(%arg15 : memref<128xf32, #tpu.memory_space<vmem>>) dst(%dma_wait3A_643 : memref<10240xf32, #tpu.memory_space<vmem_shared>>)
      %add3A_644 = arith.constant 2 : i32
      %add3A_645 = arith.addi %add3A_623, %add3A_644 : i32
      %rem3A_646 = arith.constant 80 : i32
      %rem3A_647 = arith.remsi %add3A_645, %rem3A_646 : i32
      %get3A_648 = arith.index_cast %rem3A_647 : i32 to index
      %get3A_649 = arith.constant 0 : index
      %get3A_650 = tpu.vector_load %arg8[%get3A_648, %get3A_649] {strides = array<i32>} : memref<80x128xi32, #tpu.memory_space<vmem>>, vector<1x16xi32>,
      %get3A_651 = vector.shape_cast %get3A_650 : vector<1x16xi32> to vector<16xi32>
      %shift_right_logical3A_652 = arith.constant 14 : i32
      %shift_right_logical3A_653 = vector.broadcast %shift_right_logical3A_652 : i32 to vector<16xi32>
      %shift_right_logical3A_654 = arith.shrui %get3A_651, %shift_right_logical3A_653 : vector<16xi32>
      %swap3A_655 = arith.constant 0 : index
      %swap3A_656 = tpu.vector_load %arg10[%swap3A_655] {strides = array<i32>} : memref<128xi32, #tpu.memory_space<vmem>>, vector<16xi32>,
      %swap3A_657 = vector.shape_cast %swap3A_656 : vector<16xi32> to vector<16xi32>
      %swap3A_658 = vector.shape_cast %shift_right_logical3A_654 : vector<16xi32> to vector<16xi32>
      tpu.vector_store %arg10[%swap3A_655], %swap3A_658 {strides = array<i32>} : memref<128xi32, #tpu.memory_space<vmem>>, vector<16xi32>,
      %and3A_659 = arith.constant 16383 : i32
      %and3A_660 = vector.broadcast %and3A_659 : i32 to vector<16xi32>
      %and3A_661 = arith.andi %get3A_651, %and3A_660 : vector<16xi32>
      %swap3A_662 = arith.constant 0 : index
      %swap3A_663 = tpu.vector_load %arg12[%swap3A_662] {strides = array<i32>} : memref<128xi32, #tpu.memory_space<vmem>>, vector<16xi32>,
      %swap3A_664 = vector.shape_cast %swap3A_663 : vector<16xi32> to vector<16xi32>
      %swap3A_665 = vector.shape_cast %and3A_661 : vector<16xi32> to vector<16xi32>
      tpu.vector_store %arg12[%swap3A_662], %swap3A_665 {strides = array<i32>} : memref<128xi32, #tpu.memory_space<vmem>>, vector<16xi32>,
      %get3A_666 = arith.index_cast %rem3A_647 : i32 to index
      %get3A_667 = arith.constant 16 : index
      %get3A_668 = tpu.vector_load %arg8[%get3A_666, %get3A_667] {strides = array<i32>} : memref<80x128xi32, #tpu.memory_space<vmem>>, vector<1x16xi32>,
      %get3A_669 = vector.shape_cast %get3A_668 : vector<1x16xi32> to vector<16xi32>
      %shift_right_logical3A_670 = arith.constant 14 : i32
      %shift_right_logical3A_671 = vector.broadcast %shift_right_logical3A_670 : i32 to vector<16xi32>
      %shift_right_logical3A_672 = arith.shrui %get3A_669, %shift_right_logical3A_671 : vector<16xi32>
      %swap3A_673 = arith.constant 16 : index
      %swap3A_674 = tpu.vector_load %arg10[%swap3A_673] {strides = array<i32>} : memref<128xi32, #tpu.memory_space<vmem>>, vector<16xi32>,
      %swap3A_675 = vector.shape_cast %swap3A_674 : vector<16xi32> to vector<16xi32>
      %swap3A_676 = vector.shape_cast %shift_right_logical3A_672 : vector<16xi32> to vector<16xi32>
      tpu.vector_store %arg10[%swap3A_673], %swap3A_676 {strides = array<i32>} : memref<128xi32, #tpu.memory_space<vmem>>, vector<16xi32>,
      %and3A_677 = arith.constant 16383 : i32
      %and3A_678 = vector.broadcast %and3A_677 : i32 to vector<16xi32>
      %and3A_679 = arith.andi %get3A_669, %and3A_678 : vector<16xi32>
      %swap3A_680 = arith.constant 16 : index
      %swap3A_681 = tpu.vector_load %arg12[%swap3A_680] {strides = array<i32>} : memref<128xi32, #tpu.memory_space<vmem>>, vector<16xi32>,
      %swap3A_682 = vector.shape_cast %swap3A_681 : vector<16xi32> to vector<16xi32>
      %swap3A_683 = vector.shape_cast %and3A_679 : vector<16xi32> to vector<16xi32>
      tpu.vector_store %arg12[%swap3A_680], %swap3A_683 {strides = array<i32>} : memref<128xi32, #tpu.memory_space<vmem>>, vector<16xi32>,
      %get3A_684 = arith.index_cast %rem3A_647 : i32 to index
      %get3A_685 = arith.constant 32 : index
      %get3A_686 = tpu.vector_load %arg8[%get3A_684, %get3A_685] {strides = array<i32>} : memref<80x128xi32, #tpu.memory_space<vmem>>, vector<1x16xi32>,
      %get3A_687 = vector.shape_cast %get3A_686 : vector<1x16xi32> to vector<16xi32>
      %shift_right_logical3A_688 = arith.constant 14 : i32
      %shift_right_logical3A_689 = vector.broadcast %shift_right_logical3A_688 : i32 to vector<16xi32>
      %shift_right_logical3A_690 = arith.shrui %get3A_687, %shift_right_logical3A_689 : vector<16xi32>
      %swap3A_691 = arith.constant 32 : index
      %swap3A_692 = tpu.vector_load %arg10[%swap3A_691] {strides = array<i32>} : memref<128xi32, #tpu.memory_space<vmem>>, vector<16xi32>,
      %swap3A_693 = vector.shape_cast %swap3A_692 : vector<16xi32> to vector<16xi32>
      %swap3A_694 = vector.shape_cast %shift_right_logical3A_690 : vector<16xi32> to vector<16xi32>
      tpu.vector_store %arg10[%swap3A_691], %swap3A_694 {strides = array<i32>} : memref<128xi32, #tpu.memory_space<vmem>>, vector<16xi32>,
      %and3A_695 = arith.constant 16383 : i32
      %and3A_696 = vector.broadcast %and3A_695 : i32 to vector<16xi32>
      %and3A_697 = arith.andi %get3A_687, %and3A_696 : vector<16xi32>
      %swap3A_698 = arith.constant 32 : index
      %swap3A_699 = tpu.vector_load %arg12[%swap3A_698] {strides = array<i32>} : memref<128xi32, #tpu.memory_space<vmem>>, vector<16xi32>,
      %swap3A_700 = vector.shape_cast %swap3A_699 : vector<16xi32> to vector<16xi32>
      %swap3A_701 = vector.shape_cast %and3A_697 : vector<16xi32> to vector<16xi32>
      tpu.vector_store %arg12[%swap3A_698], %swap3A_701 {strides = array<i32>} : memref<128xi32, #tpu.memory_space<vmem>>, vector<16xi32>,
      %get3A_702 = arith.index_cast %rem3A_647 : i32 to index
      %get3A_703 = arith.constant 48 : index
      %get3A_704 = tpu.vector_load %arg8[%get3A_702, %get3A_703] {strides = array<i32>} : memref<80x128xi32, #tpu.memory_space<vmem>>, vector<1x16xi32>,
      %get3A_705 = vector.shape_cast %get3A_704 : vector<1x16xi32> to vector<16xi32>
      %shift_right_logical3A_706 = arith.constant 14 : i32
      %shift_right_logical3A_707 = vector.broadcast %shift_right_logical3A_706 : i32 to vector<16xi32>
      %shift_right_logical3A_708 = arith.shrui %get3A_705, %shift_right_logical3A_707 : vector<16xi32>
      %swap3A_709 = arith.constant 48 : index
      %swap3A_710 = tpu.vector_load %arg10[%swap3A_709] {strides = array<i32>} : memref<128xi32, #tpu.memory_space<vmem>>, vector<16xi32>,
      %swap3A_711 = vector.shape_cast %swap3A_710 : vector<16xi32> to vector<16xi32>
      %swap3A_712 = vector.shape_cast %shift_right_logical3A_708 : vector<16xi32> to vector<16xi32>
      tpu.vector_store %arg10[%swap3A_709], %swap3A_712 {strides = array<i32>} : memref<128xi32, #tpu.memory_space<vmem>>, vector<16xi32>,
      %and3A_713 = arith.constant 16383 : i32
      %and3A_714 = vector.broadcast %and3A_713 : i32 to vector<16xi32>
      %and3A_715 = arith.andi %get3A_705, %and3A_714 : vector<16xi32>
      %swap3A_716 = arith.constant 48 : index
      %swap3A_717 = tpu.vector_load %arg12[%swap3A_716] {strides = array<i32>} : memref<128xi32, #tpu.memory_space<vmem>>, vector<16xi32>,
      %swap3A_718 = vector.shape_cast %swap3A_717 : vector<16xi32> to vector<16xi32>
      %swap3A_719 = vector.shape_cast %and3A_715 : vector<16xi32> to vector<16xi32>
      tpu.vector_store %arg12[%swap3A_716], %swap3A_719 {strides = array<i32>} : memref<128xi32, #tpu.memory_space<vmem>>, vector<16xi32>,
      %get3A_720 = arith.index_cast %rem3A_647 : i32 to index
      %get3A_721 = arith.constant 64 : index
      %get3A_722 = tpu.vector_load %arg8[%get3A_720, %get3A_721] {strides = array<i32>} : memref<80x128xi32, #tpu.memory_space<vmem>>, vector<1x16xi32>,
      %get3A_723 = vector.shape_cast %get3A_722 : vector<1x16xi32> to vector<16xi32>
      %shift_right_logical3A_724 = arith.constant 14 : i32
      %shift_right_logical3A_725 = vector.broadcast %shift_right_logical3A_724 : i32 to vector<16xi32>
      %shift_right_logical3A_726 = arith.shrui %get3A_723, %shift_right_logical3A_725 : vector<16xi32>
      %swap3A_727 = arith.constant 64 : index
      %swap3A_728 = tpu.vector_load %arg10[%swap3A_727] {strides = array<i32>} : memref<128xi32, #tpu.memory_space<vmem>>, vector<16xi32>,
      %swap3A_729 = vector.shape_cast %swap3A_728 : vector<16xi32> to vector<16xi32>
      %swap3A_730 = vector.shape_cast %shift_right_logical3A_726 : vector<16xi32> to vector<16xi32>
      tpu.vector_store %arg10[%swap3A_727], %swap3A_730 {strides = array<i32>} : memref<128xi32, #tpu.memory_space<vmem>>, vector<16xi32>,
      %and3A_731 = arith.constant 16383 : i32
      %and3A_732 = vector.broadcast %and3A_731 : i32 to vector<16xi32>
      %and3A_733 = arith.andi %get3A_723, %and3A_732 : vector<16xi32>
      %swap3A_734 = arith.constant 64 : index
      %swap3A_735 = tpu.vector_load %arg12[%swap3A_734] {strides = array<i32>} : memref<128xi32, #tpu.memory_space<vmem>>, vector<16xi32>,
      %swap3A_736 = vector.shape_cast %swap3A_735 : vector<16xi32> to vector<16xi32>
      %swap3A_737 = vector.shape_cast %and3A_733 : vector<16xi32> to vector<16xi32>
      tpu.vector_store %arg12[%swap3A_734], %swap3A_737 {strides = array<i32>} : memref<128xi32, #tpu.memory_space<vmem>>, vector<16xi32>,
      %get3A_738 = arith.index_cast %rem3A_647 : i32 to index
      %get3A_739 = arith.constant 80 : index
      %get3A_740 = tpu.vector_load %arg8[%get3A_738, %get3A_739] {strides = array<i32>} : memref<80x128xi32, #tpu.memory_space<vmem>>, vector<1x16xi32>,
      %get3A_741 = vector.shape_cast %get3A_740 : vector<1x16xi32> to vector<16xi32>
      %shift_right_logical3A_742 = arith.constant 14 : i32
      %shift_right_logical3A_743 = vector.broadcast %shift_right_logical3A_742 : i32 to vector<16xi32>
      %shift_right_logical3A_744 = arith.shrui %get3A_741, %shift_right_logical3A_743 : vector<16xi32>
      %swap3A_745 = arith.constant 80 : index
      %swap3A_746 = tpu.vector_load %arg10[%swap3A_745] {strides = array<i32>} : memref<128xi32, #tpu.memory_space<vmem>>, vector<16xi32>,
      %swap3A_747 = vector.shape_cast %swap3A_746 : vector<16xi32> to vector<16xi32>
      %swap3A_748 = vector.shape_cast %shift_right_logical3A_744 : vector<16xi32> to vector<16xi32>
      tpu.vector_store %arg10[%swap3A_745], %swap3A_748 {strides = array<i32>} : memref<128xi32, #tpu.memory_space<vmem>>, vector<16xi32>,
      %and3A_749 = arith.constant 16383 : i32
      %and3A_750 = vector.broadcast %and3A_749 : i32 to vector<16xi32>
      %and3A_751 = arith.andi %get3A_741, %and3A_750 : vector<16xi32>
      %swap3A_752 = arith.constant 80 : index
      %swap3A_753 = tpu.vector_load %arg12[%swap3A_752] {strides = array<i32>} : memref<128xi32, #tpu.memory_space<vmem>>, vector<16xi32>,
      %swap3A_754 = vector.shape_cast %swap3A_753 : vector<16xi32> to vector<16xi32>
      %swap3A_755 = vector.shape_cast %and3A_751 : vector<16xi32> to vector<16xi32>
      tpu.vector_store %arg12[%swap3A_752], %swap3A_755 {strides = array<i32>} : memref<128xi32, #tpu.memory_space<vmem>>, vector<16xi32>,
      %get3A_756 = arith.index_cast %rem3A_647 : i32 to index
      %get3A_757 = arith.constant 96 : index
      %get3A_758 = tpu.vector_load %arg8[%get3A_756, %get3A_757] {strides = array<i32>} : memref<80x128xi32, #tpu.memory_space<vmem>>, vector<1x16xi32>,
      %get3A_759 = vector.shape_cast %get3A_758 : vector<1x16xi32> to vector<16xi32>
      %shift_right_logical3A_760 = arith.constant 14 : i32
      %shift_right_logical3A_761 = vector.broadcast %shift_right_logical3A_760 : i32 to vector<16xi32>
      %shift_right_logical3A_762 = arith.shrui %get3A_759, %shift_right_logical3A_761 : vector<16xi32>
      %swap3A_763 = arith.constant 96 : index
      %swap3A_764 = tpu.vector_load %arg10[%swap3A_763] {strides = array<i32>} : memref<128xi32, #tpu.memory_space<vmem>>, vector<16xi32>,
      %swap3A_765 = vector.shape_cast %swap3A_764 : vector<16xi32> to vector<16xi32>
      %swap3A_766 = vector.shape_cast %shift_right_logical3A_762 : vector<16xi32> to vector<16xi32>
      tpu.vector_store %arg10[%swap3A_763], %swap3A_766 {strides = array<i32>} : memref<128xi32, #tpu.memory_space<vmem>>, vector<16xi32>,
      %and3A_767 = arith.constant 16383 : i32
      %and3A_768 = vector.broadcast %and3A_767 : i32 to vector<16xi32>
      %and3A_769 = arith.andi %get3A_759, %and3A_768 : vector<16xi32>
      %swap3A_770 = arith.constant 96 : index
      %swap3A_771 = tpu.vector_load %arg12[%swap3A_770] {strides = array<i32>} : memref<128xi32, #tpu.memory_space<vmem>>, vector<16xi32>,
      %swap3A_772 = vector.shape_cast %swap3A_771 : vector<16xi32> to vector<16xi32>
      %swap3A_773 = vector.shape_cast %and3A_769 : vector<16xi32> to vector<16xi32>
      tpu.vector_store %arg12[%swap3A_770], %swap3A_773 {strides = array<i32>} : memref<128xi32, #tpu.memory_space<vmem>>, vector<16xi32>,
      %get3A_774 = arith.index_cast %rem3A_647 : i32 to index
      %get3A_775 = arith.constant 112 : index
      %get3A_776 = tpu.vector_load %arg8[%get3A_774, %get3A_775] {strides = array<i32>} : memref<80x128xi32, #tpu.memory_space<vmem>>, vector<1x16xi32>,
      %get3A_777 = vector.shape_cast %get3A_776 : vector<1x16xi32> to vector<16xi32>
      %shift_right_logical3A_778 = arith.constant 14 : i32
      %shift_right_logical3A_779 = vector.broadcast %shift_right_logical3A_778 : i32 to vector<16xi32>
      %shift_right_logical3A_780 = arith.shrui %get3A_777, %shift_right_logical3A_779 : vector<16xi32>
      %swap3A_781 = arith.constant 112 : index
      %swap3A_782 = tpu.vector_load %arg10[%swap3A_781] {strides = array<i32>} : memref<128xi32, #tpu.memory_space<vmem>>, vector<16xi32>,
      %swap3A_783 = vector.shape_cast %swap3A_782 : vector<16xi32> to vector<16xi32>
      %swap3A_784 = vector.shape_cast %shift_right_logical3A_780 : vector<16xi32> to vector<16xi32>
      tpu.vector_store %arg10[%swap3A_781], %swap3A_784 {strides = array<i32>} : memref<128xi32, #tpu.memory_space<vmem>>, vector<16xi32>,
      %and3A_785 = arith.constant 16383 : i32
      %and3A_786 = vector.broadcast %and3A_785 : i32 to vector<16xi32>
      %and3A_787 = arith.andi %get3A_777, %and3A_786 : vector<16xi32>
      %swap3A_788 = arith.constant 112 : index
      %swap3A_789 = tpu.vector_load %arg12[%swap3A_788] {strides = array<i32>} : memref<128xi32, #tpu.memory_space<vmem>>, vector<16xi32>,
      %swap3A_790 = vector.shape_cast %swap3A_789 : vector<16xi32> to vector<16xi32>
      %swap3A_791 = vector.shape_cast %and3A_787 : vector<16xi32> to vector<16xi32>
      tpu.vector_store %arg12[%swap3A_788], %swap3A_791 {strides = array<i32>} : memref<128xi32, #tpu.memory_space<vmem>>, vector<16xi32>,
      %dma_start3A_792 = arith.constant 0 : i32
      %dma_start3A_793 = arith.constant 0 : i32
      %dma_start3A_794 = tpu.memref_slice %arg14[%dma_start3A_792, %dma_start3A_793] : memref<128x128xf32, #tpu.memory_space<vmem>> -> memref<64x128xf32, #tpu.memory_space<vmem>>
      %dma_start3A_795 = arith.constant 0 : i32
      %dma_start3A_796 = tpu.memref_slice %arg12[%dma_start3A_795] : memref<128xi32, #tpu.memory_space<vmem>> -> memref<64xi32, #tpu.memory_space<vmem>>
      %dma_start3A_797 = arith.constant 0 : i32
      %dma_start3A_798 = arith.constant 0 : i32
      %dma_start3A_799 = tpu.memref_slice %arg2[%dma_start3A_797, %dma_start3A_798] : memref<10000x128xf32, #tpu.memory_space<hbm>> -> memref<10000x128xf32, #tpu.memory_space<hbm>>
      tpu.enqueue_indirect_dma source(%dma_start3A_799 : memref<10000x128xf32, #tpu.memory_space<hbm>>) target(%dma_start3A_794 : memref<64x128xf32, #tpu.memory_space<vmem>>) offsets(%dma_start3A_796 : memref<64xi32, #tpu.memory_space<vmem>>) semaphore(%arg19 : memref<!tpu.dma_semaphore, #tpu.memory_space<semaphore_mem>>)
      %dma_start3A_800 = arith.constant 64 : i32
      %dma_start3A_801 = arith.constant 0 : i32
      %dma_start3A_802 = tpu.memref_slice %arg14[%dma_start3A_800, %dma_start3A_801] : memref<128x128xf32, #tpu.memory_space<vmem>> -> memref<64x128xf32, #tpu.memory_space<vmem>>
      %dma_start3A_803 = arith.constant 64 : i32
      %dma_start3A_804 = tpu.memref_slice %arg12[%dma_start3A_803] : memref<128xi32, #tpu.memory_space<vmem>> -> memref<64xi32, #tpu.memory_space<vmem>>
      %dma_start3A_805 = arith.constant 0 : i32
      %dma_start3A_806 = arith.constant 0 : i32
      %dma_start3A_807 = tpu.memref_slice %arg2[%dma_start3A_805, %dma_start3A_806] : memref<10000x128xf32, #tpu.memory_space<hbm>> -> memref<10000x128xf32, #tpu.memory_space<hbm>>
      tpu.enqueue_indirect_dma source(%dma_start3A_807 : memref<10000x128xf32, #tpu.memory_space<hbm>>) target(%dma_start3A_802 : memref<64x128xf32, #tpu.memory_space<vmem>>) offsets(%dma_start3A_804 : memref<64xi32, #tpu.memory_space<vmem>>) semaphore(%arg21 : memref<!tpu.dma_semaphore, #tpu.memory_space<semaphore_mem>>)
    }
    %scan3A_393 = arith.constant 40 : i32
    %dma_wait3A = arith.constant 0 : i32
    %dma_wait3A_394 = arith.constant 0 : i32
    %dma_wait3A_395 = tpu.memref_slice %arg13[%dma_wait3A, %dma_wait3A_394] : memref<128x128xf32, #tpu.memory_space<vmem>> -> memref<64x128xf32, #tpu.memory_space<vmem>>
    %dma_wait3A_396 = arith.constant 0 : i32
    %dma_wait3A_397 = tpu.memref_slice %arg11[%dma_wait3A_396] : memref<128xi32, #tpu.memory_space<vmem>> -> memref<64xi32, #tpu.memory_space<vmem>>
    %dma_wait3A_398 = arith.constant 0 : i32
    %dma_wait3A_399 = arith.constant 0 : i32
    %dma_wait3A_400 = tpu.memref_slice %arg2[%dma_wait3A_398, %dma_wait3A_399] : memref<10000x128xf32, #tpu.memory_space<hbm>> -> memref<10000x128xf32, #tpu.memory_space<hbm>>
    tpu.wait_indirect_dma semaphore(%arg18 : memref<!tpu.dma_semaphore, #tpu.memory_space<semaphore_mem>>) src(%dma_wait3A_400 : memref<10000x128xf32, #tpu.memory_space<hbm>>) dst(%dma_wait3A_395 : memref<64x128xf32, #tpu.memory_space<vmem>>)
    %dma_wait3A_401 = arith.constant 64 : i32
    %dma_wait3A_402 = arith.constant 0 : i32
    %dma_wait3A_403 = tpu.memref_slice %arg13[%dma_wait3A_401, %dma_wait3A_402] : memref<128x128xf32, #tpu.memory_space<vmem>> -> memref<64x128xf32, #tpu.memory_space<vmem>>
    %dma_wait3A_404 = arith.constant 64 : i32
    %dma_wait3A_405 = tpu.memref_slice %arg11[%dma_wait3A_404] : memref<128xi32, #tpu.memory_space<vmem>> -> memref<64xi32, #tpu.memory_space<vmem>>
    %dma_wait3A_406 = arith.constant 0 : i32
    %dma_wait3A_407 = arith.constant 0 : i32
    %dma_wait3A_408 = tpu.memref_slice %arg2[%dma_wait3A_406, %dma_wait3A_407] : memref<10000x128xf32, #tpu.memory_space<hbm>> -> memref<10000x128xf32, #tpu.memory_space<hbm>>
    tpu.wait_indirect_dma semaphore(%arg20 : memref<!tpu.dma_semaphore, #tpu.memory_space<semaphore_mem>>) src(%dma_wait3A_408 : memref<10000x128xf32, #tpu.memory_space<hbm>>) dst(%dma_wait3A_403 : memref<64x128xf32, #tpu.memory_space<vmem>>)
    %dma_wait3A_409 = arith.constant 0 : i32
    %dma_wait3A_410 = arith.constant 0 : i32
    %dma_wait3A_411 = tpu.memref_slice %arg14[%dma_wait3A_409, %dma_wait3A_410] : memref<128x128xf32, #tpu.memory_space<vmem>> -> memref<64x128xf32, #tpu.memory_space<vmem>>
    %dma_wait3A_412 = arith.constant 0 : i32
    %dma_wait3A_413 = tpu.memref_slice %arg12[%dma_wait3A_412] : memref<128xi32, #tpu.memory_space<vmem>> -> memref<64xi32, #tpu.memory_space<vmem>>
    %dma_wait3A_414 = arith.constant 0 : i32
    %dma_wait3A_415 = arith.constant 0 : i32
    %dma_wait3A_416 = tpu.memref_slice %arg2[%dma_wait3A_414, %dma_wait3A_415] : memref<10000x128xf32, #tpu.memory_space<hbm>> -> memref<10000x128xf32, #tpu.memory_space<hbm>>
    tpu.wait_indirect_dma semaphore(%arg19 : memref<!tpu.dma_semaphore, #tpu.memory_space<semaphore_mem>>) src(%dma_wait3A_416 : memref<10000x128xf32, #tpu.memory_space<hbm>>) dst(%dma_wait3A_411 : memref<64x128xf32, #tpu.memory_space<vmem>>)
    %dma_wait3A_417 = arith.constant 64 : i32
    %dma_wait3A_418 = arith.constant 0 : i32
    %dma_wait3A_419 = tpu.memref_slice %arg14[%dma_wait3A_417, %dma_wait3A_418] : memref<128x128xf32, #tpu.memory_space<vmem>> -> memref<64x128xf32, #tpu.memory_space<vmem>>
    %dma_wait3A_420 = arith.constant 64 : i32
    %dma_wait3A_421 = tpu.memref_slice %arg12[%dma_wait3A_420] : memref<128xi32, #tpu.memory_space<vmem>> -> memref<64xi32, #tpu.memory_space<vmem>>
    %dma_wait3A_422 = arith.constant 0 : i32
    %dma_wait3A_423 = arith.constant 0 : i32
    %dma_wait3A_424 = tpu.memref_slice %arg2[%dma_wait3A_422, %dma_wait3A_423] : memref<10000x128xf32, #tpu.memory_space<hbm>> -> memref<10000x128xf32, #tpu.memory_space<hbm>>
    tpu.wait_indirect_dma semaphore(%arg21 : memref<!tpu.dma_semaphore, #tpu.memory_space<semaphore_mem>>) src(%dma_wait3A_424 : memref<10000x128xf32, #tpu.memory_space<hbm>>) dst(%dma_wait3A_419 : memref<64x128xf32, #tpu.memory_space<vmem>>)
    %barrier3A_425 = arith.constant 0 : index
    tpu.barrier barrier_id(%barrier3A_425)
    %mul3A_426 = arith.constant 640 : i32
    %mul3A_427 = arith.muli %arg1, %mul3A_426 : i32
    %mul3A_428 = arith.constant 640 : i32
    %mul3A_429 = arith.muli %arg1, %mul3A_428 : i32
    "tpu.region"() ({
      %run_scoped3A = tpu.sem_alloc : memref<!tpu.dma_semaphore, #tpu.memory_space<semaphore_mem>>
      %dma_start3A_434 = arith.constant 0 : i32
      %dma_start3A_435 = tpu.memref_slice %arg6[%arg0, %mul3A_429, %dma_start3A_434] : memref<2x10240x128xf32, #tpu.memory_space<hbm>> -> memref<1x640x128xf32, #tpu.memory_space<hbm>>
      %dma_start3A_436 = tpu.memref_squeeze %dma_start3A_435 : memref<1x640x128xf32, #tpu.memory_space<hbm>> -> memref<640x128xf32, #tpu.memory_space<hbm>>
      %dma_start3A_437 = arith.constant 0 : i32
      %dma_start3A_438 = tpu.memref_slice %arg16[%mul3A_427, %dma_start3A_437] : memref<10240x128xf32, #tpu.memory_space<vmem_shared>> -> memref<640x128xf32, #tpu.memory_space<vmem_shared>>
      tpu.enqueue_dma source(%dma_start3A_438 : memref<640x128xf32, #tpu.memory_space<vmem_shared>>) target(%dma_start3A_436 : memref<640x128xf32, #tpu.memory_space<hbm>>) target_semaphore(%run_scoped3A : memref<!tpu.dma_semaphore, #tpu.memory_space<semaphore_mem>>)
      %dma_wait3A_439 = arith.constant 0 : i32
      %dma_wait3A_440 = tpu.memref_slice %arg6[%arg0, %mul3A_429, %dma_wait3A_439] : memref<2x10240x128xf32, #tpu.memory_space<hbm>> -> memref<1x640x128xf32, #tpu.memory_space<hbm>>
      %dma_wait3A_441 = tpu.memref_squeeze %dma_wait3A_440 : memref<1x640x128xf32, #tpu.memory_space<hbm>> -> memref<640x128xf32, #tpu.memory_space<hbm>>
      %dma_wait3A_442 = arith.constant 0 : i32
      %dma_wait3A_443 = tpu.memref_slice %arg16[%mul3A_427, %dma_wait3A_442] : memref<10240x128xf32, #tpu.memory_space<vmem_shared>> -> memref<640x128xf32, #tpu.memory_space<vmem_shared>>
      tpu.wait_dma2 semaphore(%run_scoped3A : memref<!tpu.dma_semaphore, #tpu.memory_space<semaphore_mem>>) src(%dma_wait3A_443 : memref<640x128xf32, #tpu.memory_space<vmem_shared>>) dst(%dma_wait3A_441 : memref<640x128xf32, #tpu.memory_space<hbm>>)
      tpu.yield
    }) : () -> ()
    %mul3A_430 = arith.constant 640 : i32
    %mul3A_431 = arith.muli %arg1, %mul3A_430 : i32
    %mul3A_432 = arith.constant 640 : i32
    %mul3A_433 = arith.muli %arg1, %mul3A_432 : i32
    "tpu.region"() ({
      %run_scoped3A = tpu.sem_alloc : memref<!tpu.dma_semaphore, #tpu.memory_space<semaphore_mem>>
      %dma_start3A_434 = tpu.memref_slice %arg7[%arg0, %mul3A_433] : memref<2x10240xf32, #tpu.memory_space<hbm>> -> memref<1x640xf32, #tpu.memory_space<hbm>>
      %dma_start3A_435 = tpu.memref_squeeze %dma_start3A_434 : memref<1x640xf32, #tpu.memory_space<hbm>> -> memref<640xf32, #tpu.memory_space<hbm>>
      %dma_start3A_436 = tpu.memref_slice %arg17[%mul3A_431] : memref<10240xf32, #tpu.memory_space<vmem_shared>> -> memref<640xf32, #tpu.memory_space<vmem_shared>>
      tpu.enqueue_dma source(%dma_start3A_436 : memref<640xf32, #tpu.memory_space<vmem_shared>>) target(%dma_start3A_435 : memref<640xf32, #tpu.memory_space<hbm>>) target_semaphore(%run_scoped3A : memref<!tpu.dma_semaphore, #tpu.memory_space<semaphore_mem>>)
      %dma_wait3A_437 = tpu.memref_slice %arg7[%arg0, %mul3A_433] : memref<2x10240xf32, #tpu.memory_space<hbm>> -> memref<1x640xf32, #tpu.memory_space<hbm>>
      %dma_wait3A_438 = tpu.memref_squeeze %dma_wait3A_437 : memref<1x640xf32, #tpu.memory_space<hbm>> -> memref<640xf32, #tpu.memory_space<hbm>>
      %dma_wait3A_439 = tpu.memref_slice %arg17[%mul3A_431] : memref<10240xf32, #tpu.memory_space<vmem_shared>> -> memref<640xf32, #tpu.memory_space<vmem_shared>>
      tpu.wait_dma2 semaphore(%run_scoped3A : memref<!tpu.dma_semaphore, #tpu.memory_space<semaphore_mem>>) src(%dma_wait3A_439 : memref<640xf32, #tpu.memory_space<vmem_shared>>) dst(%dma_wait3A_438 : memref<640xf32, #tpu.memory_space<hbm>>)
      tpu.yield
    }) : () -> ()
    return
  }
}

module attributes {stable_mosaic.version = 14 : i64} {
  func.func @_tc_xl_body(%arg0: i32, %arg1: memref<2048x128xf32, #tpu.memory_space<vmem>>, %arg2: memref<128x128xf32, #tpu.memory_space<vmem>>, %arg3: memref<1x128xf32, #tpu.memory_space<vmem>>, %arg4: memref<2048x128xf32, #tpu.memory_space<vmem>>) attributes {dimension_semantics = [#tpu.dimension_semantics<arbitrary>], iteration_bounds = array<i64: 5>, scalar_prefetch = 0 : i64, scratch_operands = 0 : i64, tpu.core_type = #tpu.core_type<tc>, window_params = [{transform_indices = @transform_0, window_bounds = array<i64: 2048, 128>}, {pipeline_mode = #tpu.pipeline_mode<synchronous>, transform_indices = @transform_1, window_bounds = array<i64: 128, 128>}, {pipeline_mode = #tpu.pipeline_mode<synchronous>, transform_indices = @transform_2, window_bounds = array<i64: 1, 128>}, {transform_indices = @transform_3, window_bounds = array<i64: 2048, 128>}]} {
    %get3A = arith.constant 0 : index
    %get3A_0 = arith.constant 0 : index
    %get3A_1 = vector.load %arg1[%get3A, %get3A_0] : memref<2048x128xf32, #tpu.memory_space<vmem>>, vector<2048x128xf32>
    %get3A_2 = arith.constant 0 : index
    %get3A_3 = arith.constant 0 : index
    %get3A_4 = vector.load %arg2[%get3A_2, %get3A_3] : memref<128x128xf32, #tpu.memory_space<vmem>>, vector<128x128xf32>
    %dot_general3A = arith.constant dense<0.000000e+00> : vector<2048x128xf32>
    %dot_general3A_5 = tpu.matmul %get3A_1, %get3A_4, %dot_general3A {dimension_numbers = #tpu.dot_dimension_numbers<[1], [0], [0], [1], [0, 0, 1, 1], [], []>, transpose_lhs_hint = false} : vector<2048x128xf32>, vector<128x128xf32>, vector<2048x128xf32> -> vector<2048x128xf32>
    %get3A_6 = arith.constant 0 : index
    %get3A_7 = arith.constant 0 : index
    %get3A_8 = vector.load %arg3[%get3A_6, %get3A_7] : memref<1x128xf32, #tpu.memory_space<vmem>>, vector<1x128xf32>
    %add3A = vector.broadcast %get3A_8 : vector<1x128xf32> to vector<2048x128xf32>
    %add3A_9 = arith.addf %dot_general3A_5, %add3A : vector<2048x128xf32>
    %swap3A = arith.constant 0 : index
    %swap3A_10 = arith.constant 0 : index
    %swap3A_11 = vector.load %arg4[%swap3A, %swap3A_10] : memref<2048x128xf32, #tpu.memory_space<vmem>>, vector<2048x128xf32>
    tpu.vector_store %arg4[%swap3A, %swap3A_10], %add3A_9 {strides = array<i32>} : memref<2048x128xf32, #tpu.memory_space<vmem>>, vector<2048x128xf32>,
    return
  }
  func.func @transform_0(%arg0: i32) -> (i32, i32) {
    %c0_i32 = arith.constant 0 : i32
    %c0_i32_0 = arith.constant 0 : i32
    return %arg0, %c0_i32 : i32, i32
  }
  func.func @transform_1(%arg0: i32) -> (i32, i32) {
    %c0_i32 = arith.constant 0 : i32
    %c0_i32_0 = arith.constant 0 : i32
    %c0_i32_1 = arith.constant 0 : i32
    return %c0_i32, %c0_i32_0 : i32, i32
  }
  func.func @transform_2(%arg0: i32) -> (i32, i32) {
    %c0_i32 = arith.constant 0 : i32
    %c0_i32_0 = arith.constant 0 : i32
    %c0_i32_1 = arith.constant 0 : i32
    return %c0_i32, %c0_i32_0 : i32, i32
  }
  func.func @transform_3(%arg0: i32) -> (i32, i32) {
    %c0_i32 = arith.constant 0 : i32
    %c0_i32_0 = arith.constant 0 : i32
    return %arg0, %c0_i32 : i32, i32
  }
}

module attributes {stable_mosaic.version = 14 : i64} {
  func.func @_tc_combine_body(%arg0: i32, %arg1: memref<2048x128xf32, #tpu.memory_space<vmem>>, %arg2: memref<2x2048x128xf32, #tpu.memory_space<vmem>>, %arg3: memref<2x2048xf32, #tpu.memory_space<vmem>>, %arg4: memref<128x128xf32, #tpu.memory_space<vmem>>, %arg5: memref<2048x128xf32, #tpu.memory_space<vmem>>) attributes {dimension_semantics = [#tpu.dimension_semantics<arbitrary>], iteration_bounds = array<i64: 5>, scalar_prefetch = 0 : i64, scratch_operands = 0 : i64, tpu.core_type = #tpu.core_type<tc>, window_params = [{transform_indices = @transform_0, window_bounds = array<i64: 2048, 128>}, {transform_indices = @transform_1, window_bounds = array<i64: 2, 2048, 128>}, {transform_indices = @transform_2, window_bounds = array<i64: 2, 2048>}, {pipeline_mode = #tpu.pipeline_mode<synchronous>, transform_indices = @transform_3, window_bounds = array<i64: 128, 128>}, {transform_indices = @transform_4, window_bounds = array<i64: 2048, 128>}]} {
    %get3A = arith.constant 0 : index
    %get3A_0 = arith.constant 0 : index
    %get3A_1 = arith.constant 0 : index
    %get3A_2 = vector.load %arg2[%get3A, %get3A_0, %get3A_1] : memref<2x2048x128xf32, #tpu.memory_space<vmem>>, vector<1x2048x128xf32>
    %get3A_3 = vector.shape_cast %get3A_2 : vector<1x2048x128xf32> to vector<2048x128xf32>
    %get3A_4 = arith.constant 1 : index
    %get3A_5 = arith.constant 0 : index
    %get3A_6 = arith.constant 0 : index
    %get3A_7 = vector.load %arg2[%get3A_4, %get3A_5, %get3A_6] : memref<2x2048x128xf32, #tpu.memory_space<vmem>>, vector<1x2048x128xf32>
    %get3A_8 = vector.shape_cast %get3A_7 : vector<1x2048x128xf32> to vector<2048x128xf32>
    %add3A = arith.addf %get3A_3, %get3A_8 : vector<2048x128xf32>
    %get3A_9 = arith.constant 0 : index
    %get3A_10 = arith.constant 0 : index
    %get3A_11 = vector.load %arg3[%get3A_9, %get3A_10] : memref<2x2048xf32, #tpu.memory_space<vmem>>, vector<1x2048xf32>
    %get3A_12 = vector.shape_cast %get3A_11 : vector<1x2048xf32> to vector<2048xf32>
    %get3A_13 = arith.constant 1 : index
    %get3A_14 = arith.constant 0 : index
    %get3A_15 = vector.load %arg3[%get3A_13, %get3A_14] : memref<2x2048xf32, #tpu.memory_space<vmem>>, vector<1x2048xf32>
    %get3A_16 = vector.shape_cast %get3A_15 : vector<1x2048xf32> to vector<2048xf32>
    %add3A_17 = arith.addf %get3A_12, %get3A_16 : vector<2048xf32>
    %max3A = arith.constant 1.000000e+00 : f32
    %max3A_18 = vector.broadcast %max3A : f32 to vector<2048xf32>
    %max3A_19 = arith.maximumf %add3A_17, %max3A_18 : vector<2048xf32>
    %div3A = arith.constant 1.000000e+00 : f32
    %div3A_20 = vector.broadcast %div3A : f32 to vector<2048xf32>
    %div3A_21 = arith.divf %div3A_20, %max3A_19 : vector<2048xf32>
    %broadcast_in_dim3A = vector.shape_cast %div3A_21 : vector<2048xf32> to vector<2048x1xf32>
    %mul3A = vector.broadcast %broadcast_in_dim3A : vector<2048x1xf32> to vector<2048x128xf32>
    %mul3A_22 = arith.mulf %add3A, %mul3A : vector<2048x128xf32>
    %get3A_23 = arith.constant 0 : index
    %get3A_24 = arith.constant 0 : index
    %get3A_25 = vector.load %arg1[%get3A_23, %get3A_24] : memref<2048x128xf32, #tpu.memory_space<vmem>>, vector<2048x128xf32>
    %get3A_26 = arith.constant 0 : index
    %get3A_27 = arith.constant 0 : index
    %get3A_28 = vector.load %arg4[%get3A_26, %get3A_27] : memref<128x128xf32, #tpu.memory_space<vmem>>, vector<128x128xf32>
    %dot_general3A = arith.constant dense<0.000000e+00> : vector<2048x128xf32>
    %dot_general3A_29 = tpu.matmul %mul3A_22, %get3A_28, %dot_general3A {dimension_numbers = #tpu.dot_dimension_numbers<[1], [0], [0], [1], [0, 0, 1, 1], [], []>, transpose_lhs_hint = false} : vector<2048x128xf32>, vector<128x128xf32>, vector<2048x128xf32> -> vector<2048x128xf32>
    %add3A_30 = arith.addf %get3A_25, %dot_general3A_29 : vector<2048x128xf32>
    %max3A_31 = arith.constant 0.000000e+00 : f32
    %max3A_32 = vector.broadcast %max3A_31 : f32 to vector<2048x128xf32>
    %max3A_33 = arith.maximumf %add3A_30, %max3A_32 : vector<2048x128xf32>
    %mul3A_34 = arith.mulf %max3A_33, %max3A_33 : vector<2048x128xf32>
    %reduce_sum3A = arith.constant dense<0.000000e+00> : vector<2048xf32>
    %reduce_sum3A_35 = vector.multi_reduction <add>, %mul3A_34, %reduce_sum3A [1] : vector<2048x128xf32> to vector<2048xf32>
    %broadcast_in_dim3A_36 = vector.shape_cast %reduce_sum3A_35 : vector<2048xf32> to vector<2048x1xf32>
    %sqrt3A = math.sqrt %broadcast_in_dim3A_36 : vector<2048x1xf32>
    %add3A_37 = arith.constant 9.99999997E-7 : f32
    %add3A_38 = vector.broadcast %add3A_37 : f32 to vector<2048x1xf32>
    %add3A_39 = arith.addf %sqrt3A, %add3A_38 : vector<2048x1xf32>
    %div3A_40 = vector.broadcast %add3A_39 : vector<2048x1xf32> to vector<2048x128xf32>
    %div3A_41 = arith.divf %max3A_33, %div3A_40 : vector<2048x128xf32>
    %swap3A = arith.constant 0 : index
    %swap3A_42 = arith.constant 0 : index
    %swap3A_43 = vector.load %arg5[%swap3A, %swap3A_42] : memref<2048x128xf32, #tpu.memory_space<vmem>>, vector<2048x128xf32>
    tpu.vector_store %arg5[%swap3A, %swap3A_42], %div3A_41 {strides = array<i32>} : memref<2048x128xf32, #tpu.memory_space<vmem>>, vector<2048x128xf32>,
    return
  }
  func.func @transform_0(%arg0: i32) -> (i32, i32) {
    %c0_i32 = arith.constant 0 : i32
    %c0_i32_0 = arith.constant 0 : i32
    return %arg0, %c0_i32 : i32, i32
  }
  func.func @transform_1(%arg0: i32) -> (i32, i32, i32) {
    %c0_i32 = arith.constant 0 : i32
    %c0_i32_0 = arith.constant 0 : i32
    %c0_i32_1 = arith.constant 0 : i32
    return %c0_i32, %arg0, %c0_i32_0 : i32, i32, i32
  }
  func.func @transform_2(%arg0: i32) -> (i32, i32) {
    %c0_i32 = arith.constant 0 : i32
    %c0_i32_0 = arith.constant 0 : i32
    return %c0_i32, %arg0 : i32, i32
  }
  func.func @transform_3(%arg0: i32) -> (i32, i32) {
    %c0_i32 = arith.constant 0 : i32
    %c0_i32_0 = arith.constant 0 : i32
    %c0_i32_1 = arith.constant 0 : i32
    return %c0_i32, %c0_i32_0 : i32, i32
  }
  func.func @transform_4(%arg0: i32) -> (i32, i32) {
    %c0_i32 = arith.constant 0 : i32
    %c0_i32_0 = arith.constant 0 : i32
    return %arg0, %c0_i32 : i32, i32
  }
}

</mosaic_0001>

<sc_bundles>
// kernel: kernel.5.cloned.1.call-start
scs
__scs_entry_jumppad:
0x0: {  	(pc) =	sbr.rel $0x88, $3  }
0x1: {  	(tag) =	ssettag $0x0;
	lr =	simm.s32 $0x1  }
0x2: {  	[smem:$0x3F9B] =	sst lr;
	_ =	strace $0xD0000000  }
0x3: {  	_ = 	snop  }
0x4: {  	_ = 	snop  }
0x5: {  	_ = 	snop  }
0x6: {  	_ = 	snop  }
0x7: {  	_ = 	snop  }
__scs_overlays_trampoline_lowered:
0x8: {  	[smem:$0x3FAA] =	sst s0  }
0x9: {  	[smem:$0x3FAB] =	sst s1  }
0xa: {  	[smem:$0x3FAC] =	sst s2  }
0xb: {  	[smem:$0x3FAD] =	sst s3  }
0xc: {  	[smem:$0x3FAE] =	sst s4  }
0xd: {  	[smem:$0x3FAF] =	sst s5  }
0xe: {  	[smem:$0x3FB0] =	sst s6  }
0xf: {  	[smem:$0x3FB1] =	sst s7  }
0x10: {  	[smem:$0x3FB2] =	sst s8  }
0x11: {  	[smem:$0x3FB3] =	sst s9;
	s0 =	simm.s32 @!p0 $0x0  }
0x12: {  	s1 =	sld [smem:$0x3F99];
	s0 =	simm.s32 @p0 $0x1  }
0x13: {  	[smem:$0x3FB4] =	sst s0;
	s0 =	simm.s32 @!p1 $0x0  }
0x14: {  	s2 =	sld [smem:$0x3F98];
	s0 =	simm.s32 @p1 $0x1  }
0x15: {  	[smem:$0x3FB5] =	sst s0;
	s0 =	simm.s32 @!p2 $0x0  }
0x16: {  	s3 =	sld [smem:$0x3FDB];
	s0 =	simm.s32 @p2 $0x1  }
0x17: {  	s4 =	simm.s32 $0x1BF5;
	[smem:$0x3FB7] =	sst s0  }
0x18: {  	s0 =	sld [smem:$0x3F9A];
	_ =	swait.ge [sflag:s4], $0x0  }
0x19: {  	s7 =	sld [smem:$0x3F9B]  }
0x1a: {  	s8 =	sadd.s32 $0xFFFFE003, lr  }
0x1b: {  	s9 =	sadd.s32 $0xFFFFFEF7, lr;
	s5 =	simm.s32 $0xFFFFFFFF;
	p2 =	slt.u32 s8, $0xFFFFF086  }
0x1c: {  	p1 =	slt.u32 s9, $0xF7A;
	s5 =	simm.s32 @!p2 $0x0  }
0x1d: {  	s5 =	simm.s32 @p1 $0x1;
	p0 =	seq.s32 s7, s2  }
0x1e: {  	s7 =	smul.u32 @!p0 $0xF7A, s2;
	p2 =	seq.s32 @!p0 s5, $0x0  }
0x1f: {  	s9 =	smul.u32 $0xF7A, s1;
	s8 =	simm.s32 @!p0 $0x1BF5;
	p2 =	por !p2, p0  }
0x20: {  	[sflag:s8] =	ssyncset.s32 @!p0 $0xFFFFF086;
	s6 =	sadd.s32 @!p0 s3, s7;
	s7 =	simm.s32 @!p0 $0x108  }
0x21: {  	s3 =	sadd.s32 s3, s9;
	s6 =	sadd.s32 @!p0 $0x88, s6;
	s7 =	simm.s32 @p2 $0x1082  }
0x22: {  	[simem:s7], [sflag:s8] =	dma.local @!p0 [hbm:s6], $0xF7A  }
0x23: {  	s9 =	sor.u32 $0xD0000000, s2;
	s6 =	simm.s32 $0x108;
	_ =	swait.ge @!p0 [sflag:s8], $0x0  }
0x24: {  	s3 =	sadd.s32 $0x88, s3;
	s6 =	simm.s32 @!p1 $0x1082;
	[sflag:s4] =	ssyncset.s32 $0xFFFFF086  }
0x25: {  	[simem:s6], [sflag:s4] =	dma.local [hbm:s3], $0xF7A  }
0x26: {  	[smem:$0x3F9B] =	sst s1;
	(tag) =	ssettag s2;
	_ =	strace s9  }
0x27: {  	s1 =	sld [smem:$0x3FAB]  }
0x28: {  	s2 =	sld [smem:$0x3FAC]  }
0x29: {  	s4 =	sld [smem:$0x3FAE]  }
0x2a: {  	p0 =	seq.s32 s5, $0x0;
	s5 =	sld [smem:$0x3FAF]  }
0x2b: {  	s6 =	sld [smem:$0x3FB0]  }
0x2c: {  	s7 =	sld [smem:$0x3FB1]  }
0x2d: {  	s3 =	simm.s32 $0x108;
	s8 =	sld [smem:$0x3FB2]  }
0x2e: {  	s3 =	simm.s32 @!p0 $0x1082;
	s9 =	sld [smem:$0x3FB3]  }
0x2f: {  	lr =	sadd.s32 s0, s3;
	s0 =	sld [smem:$0x3FAA]  }
0x30: {  	s3 =	sld [smem:$0x3FAD]  }
0x31: {  	[smem:$0x3FB6] =	sst s10  }
0x32: {  	s10 =	sld [smem:$0x3FB4];
	_ =	sdelay $0x3  }
0x33: {  	p0 =	seq.s32 s10, $0x1;
	s10 =	sld [smem:$0x3FB6];
	_ =	sdelay $0x3  }
0x34: {  	[smem:$0x3FB6] =	sst s10  }
0x35: {  	s10 =	sld [smem:$0x3FB5];
	_ =	sdelay $0x3  }
0x36: {  	p1 =	seq.s32 s10, $0x1;
	s10 =	sld [smem:$0x3FB6];
	_ =	sdelay $0x3  }
0x37: {  	[smem:$0x3FB6] =	sst s10  }
0x38: {  	s10 =	sld [smem:$0x3FB7]  }
0x39: {  	_ = 	snop;
	(pc) =	sbr.ind lr, $3  }
0x3a: {  	_ = 	snop  }
0x3b: {  	_ = 	snop  }
0x3c: {  	p2 =	seq.s32 s10, $0x1;
	s10 =	sld [smem:$0x3FB6]  }
0x3d: {  	_ =	shalt  }
0x3e: {  	_ =	shalt  }
0x3f: {  	_ =	shalt  }
0x40: {  	_ =	shalt  }
0x41: {  	_ =	shalt  }
0x42: {  	_ =	shalt  }
0x43: {  	_ =	shalt  }
0x44: {  	_ =	shalt  }
0x45: {  	_ =	shalt  }
0x46: {  	_ =	shalt  }
0x47: {  	_ =	shalt  }
0x48: {  	_ =	shalt  }
0x49: {  	_ =	shalt  }
0x4a: {  	_ =	shalt  }
0x4b: {  	_ =	shalt  }
0x4c: {  	_ =	shalt  }
0x4d: {  	_ =	shalt  }
0x4e: {  	_ =	shalt  }
0x4f: {  	_ =	shalt  }
0x50: {  	_ =	shalt  }
0x51: {  	_ =	shalt  }
0x52: {  	_ =	shalt  }
0x53: {  	_ =	shalt  }
0x54: {  	_ =	shalt  }
0x55: {  	_ =	shalt  }
0x56: {  	_ =	shalt  }
0x57: {  	_ =	shalt  }
0x58: {  	_ =	shalt  }
0x59: {  	_ =	shalt  }
0x5a: {  	_ =	shalt  }
0x5b: {  	_ =	shalt  }
0x5c: {  	_ =	shalt  }
0x5d: {  	_ =	shalt  }
0x5e: {  	_ =	shalt  }
0x5f: {  	_ =	shalt  }
0x60: {  	_ =	shalt  }
0x61: {  	_ =	shalt  }
0x62: {  	_ =	shalt  }
0x63: {  	_ =	shalt  }
0x64: {  	_ =	shalt  }
0x65: {  	_ =	shalt  }
0x66: {  	_ =	shalt  }
0x67: {  	_ =	shalt  }
0x68: {  	_ =	shalt  }
0x69: {  	_ =	shalt  }
0x6a: {  	_ =	shalt  }
0x6b: {  	_ =	shalt  }
0x6c: {  	_ =	shalt  }
0x6d: {  	_ =	shalt  }
0x6e: {  	_ =	shalt  }
0x6f: {  	_ =	shalt  }
0x70: {  	_ =	shalt  }
0x71: {  	_ =	shalt  }
0x72: {  	_ =	shalt  }
0x73: {  	_ =	shalt  }
0x74: {  	_ =	shalt  }
0x75: {  	_ =	shalt  }
0x76: {  	_ =	shalt  }
0x77: {  	_ =	shalt  }
0x78: {  	_ =	shalt  }
0x79: {  	_ =	shalt  }
0x7a: {  	_ =	shalt  }
0x7b: {  	_ =	shalt  }
0x7c: {  	_ =	shalt  }
0x7d: {  	_ =	shalt  }
0x7e: {  	_ =	shalt  }
0x7f: {  	_ =	shalt  }
0x80: {  	_ =	shalt  }
0x81: {  	_ =	shalt  }
0x82: {  	_ =	shalt  }
0x83: {  	_ =	shalt  }
0x84: {  	_ =	shalt  }
0x85: {  	_ =	shalt  }
0x86: {  	_ =	shalt  }
0x87: {  	_ =	shalt  }
.Lfunc_end0:
.L_simem_size_0:
called_computation_lowered:
.L_overlay_start_0:
0x88: {  	s2 =	sld [smem:$0x3FD9]  }
0x89: {  	s3 =	sld [smem:$0x3FFE];
	_ =	sdelay $0x1  }
0x8a: {  	s1 =	srdreg.scid  }
0x8b: {  	s0 =	sand.u32 $0x1, s1  }
0x8c: {  	s17 =	sshll.u32 s0, $0xA;
	s2 =	sadd.s32 s3, s2  }
0x8d: {  	s2 =	sadd.s32 s2, s17  }
0x8e: {  	[smem:$0x3FC2] =	sst s2  }
0x8f: {  	_ = 	snop  }
0x90: {  	s2 =	sld [smem:$0x3FC9]  }
0x91: {  	s18 =	sld [smem:$0x3FD0];
	(tm) =	ssettm $0x1  }
0x92: {  	s4 =	sld [smem:$0x3FFB];
	_ =	sdelay $0x3  }
0x93: {  	_ =	strace s4  }
0x94: {  	s4 =	sld [smem:$0x3FFC];
	_ =	sdelay $0x3  }
0x95: {  	_ =	strace s4  }
0x96: {  	s4 =	sld [smem:$0x3FFD];
	_ =	sdelay $0x3  }
0x97: {  	_ =	strace s4  }
0x98: {  	_ =	strace $0x8FFFFFFF  }
0x99: {  	s19 =	sld [smem:$0x3FDB];
	_ =	sdelay $0x1  }
0x9a: {  	s5 =	simm.s32 $_scs_section_size  }
0x9b: {  	s6 =	simm.s32 $_size__tile_overlayer_lowered;
	s7 =	simm.s32 $_tile_overlayer_lowered  }
0x9c: {  	s22 =	simm.s32 $0x1BFF;
	s21 =	sshll.u32 s7, $0x1;
	s4 =	sadd.s32 s5, s19  }
0x9d: {  	s8 =	simm.s32 $0x0;
	s20 =	sshll.u32 s6, $0x1;
	s6 =	sadd.s32 s21, s4  }
0x9e: {  	[timem:s8], [sflag:s22] =	dma.local [hbm:s6], s20  }
0x9f: {  	_ =	swait.ge [sflag:s22], s20  }
0xa0: {  	s5 =	ssub.s32 $0x0, s20;
	[sflag:s22] =	ssyncset.done $0x0  }
0xa1: {  	[sflag:s22] =	ssyncadd.s32 s5;
	_ =	sdelay $0x1  }
0xa2: {  	s23 =	simm.s32 $0x1B8B  }
0xa3: {  	_ =	swait.ge [sflag:s23], $0x1  }
0xa4: {  	[sflag:s23] =	ssyncset.done $0x0  }
0xa5: {  	s25 =	simm.s32 $0x1B8E;
	s24 =	sld [smem:$0x3FFE];
	[sflag:s23] =	ssyncadd.s32 $0xFFFFFFFF  }
0xa6: {  	s26 =	simm.s32 $execute0_lowered;
	[smem:$0x3FD2] =	sst s25  }
0xa7: {  	s6 =	sshll.u32 s26, $0x1;
	_ =	strace $0x80000046;
	[dreg:$0x1] =	wrdreg $0xFFFFFFFF  }
0xa8: {  	s28 =	simm.s32 $_size_execute0_lowered;
	s4 =	sadd.s32 s4, s6;
	[dreg:$0x0] =	wrdreg $0x0  }
0xa9: {  	s6 =	sshll.u32 s28, $0x1;
	[dreg:$0x2] =	wrdreg s4  }
0xaa: {  	[dreg:$0x3] =	wrdreg s6  }
0xab: {  	[dreg:$0x4] =	wrdreg $0xC0  }
0xac: {  	_ =	task [dreg:s8], $0x5FFFF  }
0xad: {  	[dreg:$0x1] =	wrdreg $0xFFFFFFFF  }
0xae: {  	[dreg:$0x0] =	wrdreg $0x60  }
0xaf: {  	[dreg:$0x2] =	wrdreg s2  }
0xb0: {  	[dreg:$0x3] =	wrdreg s18  }
0xb1: {  	[dreg:$0x4] =	wrdreg s24  }
0xb2: {  	[dreg:$0x5] =	wrdreg $0xAA800  }
0xb3: {  	[dreg:$0x6] =	wrdreg $0x1EA800  }
0xb4: {  	[dreg:$0x7] =	wrdreg $0x9  }
0xb5: {  	_ =	task.clear_ibuf [dreg:s8], $0x8FFFF;
	_ =	strace $0x90000046  }
0xb6: {  	s29 =	simm.s32 $0x9;
	_ =	strace $0x80000048  }
0xb7: {  	_ =	swait.ge [sflag:s29], $0x1  }
0xb8: {  	[sflag:s29] =	ssyncadd.s32 $0xFFFFFFFF  }
0xb9: {  	_ =	strace $0x90000048  }
0xba: {  	_ =	sfence  }
0xbb: {  	s30 =	sld [smem:$0x0];
	_ =	sdelay $0x2  }
0xbc: {  	s31 =	sshll.u32 s1, $0xD;
	s1 =	sshrl.u32 s1, $0x2  }
0xbd: {  	s3 =	sand.u32 $0x4000, s31;
	s1 =	sadd.s32 s1, s30  }
0xbe: {  	s0 =	sor.u32 s3, s0;
	s1 =	sshll.u32 s1, $0x11  }
0xbf: {  	s0 =	sor.u32 s1, s0  }
0xc0: {  	s0 =	sadd.s32 $0x8F2B, s0  }
0xc1: {  	[sflag:s0] =	ssyncadd.remote.s32 $0x1  }
0xc2: {  	_ =	sfence.sel $0xFFFF  }
0xc3: {  	[dreg:$0x0] =	wrdreg $0xFFFFFFFF;
	(pc) =	sbr.abs _section_cstart, $3  }
0xc4: {  	[dreg:$0x1] =	wrdreg $0xFFFFFFFF  }
0xc5: {  	_ =	task.clear_ibuf [dreg:s8], $0x2FFFF;
	_ =	strace $0x9FFFFFFF  }
0xc6: {  	(tm) =	ssettm $0x7FFFFFFF  }
0xc7: {  	_ =	shalt  }
tec
execute0_lowered:
.L_overlay_start_1:
0x0: {  	(tag) =	ssettag $0x1  }
0x1: {  	s1 =	rddreg [dreg:$0x0]  }
0x2: {  	s0 =	rddreg [dreg:$0x1]  }
0x3: {  	s2 =	rddreg [dreg:$0x2]  }
0x4: {  	s3 =	rddreg [dreg:$0x3]  }
0x5: {  	s4 =	rddreg [dreg:$0x4];
	s14 =	stileid.u32  }
0x6: {  	s5 =	srdreg.scid;
	s7 =	simm.s32 $0x0;
	s6 =	smul.u32 $0x14000, s14  }
0x7: {  	s28 =	simm.s32 $0x80;
	s29 =	simm.s32 $0x2800;
	s9 =	smul.u32 $0x280, s14  }
0x8: {  	s30 =	simm.s32 $0xAA00;
	s31 =	simm.s32 $0x5;
	s17 =	smul.u32 $0x500, s14  }
0x9: {  	s5 =	sand.u32 $0x1, s5;
	[smem:$0x7FF] =	sst s7;
	s12 =	smul.u32 $0x50000, s14  }
0xa: {  	s13 =	sshll.u32 s14, $0x1;
	s22 =	sshll.u32 s14, $0x6;
	s14 =	simm.s32 $0x7  }
0xb: {  	s16 =	smul.u32 $0x140000, s5;
	_ =	strace $0x80000047;
	s11 =	sshll.u32 s5, $0x7  }
0xc: {  	s18 =	ssub.s32 $0x2, s5;
	s5 =	sor.u32 s5, s13;
	s8 =	sshrl.u32 s6, $0x3  }
0xd: {  	s10 =	sshrl.u32 s9, $0x3;
	s7 =	sor.u32 s11, s17;
	s19 =	sshrl.u32 s18, $0x1  }
0xe: {  	s20 =	sshrl.u32 s12, $0x2;
	s5 =	smul.u32 $0x500, s5;
	s23 =	sadd.s32 s9, s4  }
0xf: {  	s17 =	simm.s32 $0x2900;
	s8 =	sadd.s32 s8, s2;
	s6 =	sadd.s32 s6, s16  }
0x10: {  	s10 =	sadd.s32 s10, s2;
	s7 =	sshrl.u32 s7, $0x3;
	s11 =	ssub.s32 s18, s19  }
0x11: {  	s21 =	sadd.s32 s20, s3;
	s15 =	sshrl.u32 s23, $0x3;
	s16 =	simm.s32 $0x40  }
0x12: {  	s18 =	simm.s32 $0x2A00;
	s19 =	simm.s32 $0x2940;
	s20 =	simm.s32 $0x4A00  }
0x13: {  	s23 =	simm.s32 $0x29C0;
	s6 =	sshrl.u32 s6, $0x3;
	s8 =	sadd.s32 $0x1400, s8  }
0x14: {  	s24 =	sadd.s32 $0x29400, s10;
	s0 =	sadd.s32 s0, s5;
	s12 =	smax.u32 s11, $0x1  }
0x15: {  	s13 =	sshrl.u32 s21, $0x3;
	s21 =	simm.s32 $0x2980;
	[dreg:$0x6] =	wrdreg s8  }
0x16: {  	s5 =	simm.s32 $0x2880;
	s6 =	sadd.s32 s6, s2;
	[dreg:$0x7] =	wrdreg s24  }
0x17: {  	s2 =	sadd.s32 s7, s2;
	s7 =	sor.u32 $0x1C07, s22;
	[dreg:$0x8] =	wrdreg s0  }
0x18: {  	s22 =	simm.s32 $0x6A00;
	s24 =	simm.s32 $0x8A00;
	s0 =	simm.s32 $0x2  }
0x19: {  	s8 =	simm.s32 $0x0;
	s25 =	sadd.s32 $0x29A00, s6;
	s26 =	sadd.s32 $0x79A00, s2  }
0x1a: {  	s2 =	simm.s32 $0x4;
	s6 =	simm.s32 $0x6;
	[dreg:$0x9] =	wrdreg s25  }
0x1b: {  	v0 =	vimm.f32 $1.000000000e+00;
	[dreg:$0xa] =	wrdreg s26;
	s25 =	simm.s32 $0x1;
	s26 =	simm.s32 $0x3  }
.LBB2_1:
0x1c: {  	s9 =	rddreg [dreg:$0x6]  }
0x1d: {  	[spmem:s13], [sflag:s7] =	dma.local [hbm:s9], $0x2800  }
0x1e: {  	_ =	swait.ge [sflag:s14], $0x2800  }
0x1f: {  	[sflag:s14] =	ssyncset.done $0x0  }
0x20: {  	s10 =	rddreg [dreg:$0x7];
	[sflag:s14] =	ssyncadd.s32 $0xFFFFD800  }
0x21: {  	[spmem:s15], [sflag:s7] =	dma.local [hbm:s10], $0x50  }
0x22: {  	_ =	swait.ge [sflag:s14], $0x50  }
0x23: {  	[sflag:s14] =	ssyncset.done $0x0  }
0x24: {  	s11 =	simm.s32 $0x0;
	s10 =	rddreg [dreg:$0x8];
	[sflag:s14] =	ssyncadd.s32 $0xFFFFFFB0  }
0x25: {  	[tilespmem:s11], [sflag:$0x7] =	stream.linear.gather [hbm4b:s10+s11], $0x2800, $0x38;
	[tilespmem:$0x1ED00] =	vst v63  }
0x26: {  	_ =	swait.ge [sflag:s14], $0x2800  }
0x27: {  	[sflag:s14] =	ssyncset.done $0x0  }
0x28: {  	[sflag:s14] =	ssyncadd.s32 $0xFFFFD800  }
0x29: {  	[tilespmem:$0xAA00] =	vst v0  }
0x2a: {  	[tilespmem:$0xAA10] =	vst v0  }
0x2b: {  	[tilespmem:$0xAA20] =	vst v0  }
0x2c: {  	[tilespmem:$0xAA30] =	vst v0  }
0x2d: {  	[tilespmem:$0xAA40] =	vst v0  }
0x2e: {  	[tilespmem:$0xAA50] =	vst v0  }
0x2f: {  	[tilespmem:$0xAA60] =	vst v0  }
0x30: {  	[tilespmem:$0xAA70] =	vst v0  }
0x31: {  	[bflag:$0x0] =	sbarrier.arrive $0xFFFF  }
0x32: {  	v1 =	vld [tilespmem:$0x0];
	_ =	sdelay $0x1  }
0x33: {  	v2 =	vld [tilespmem:$0x10];
	_ =	sdelay $0x1  }
0x34: {  	v3 =	vld [tilespmem:$0x20]  }
0x35: {  	v4 =	vshrl.u32 v1, $0xE  }
0x36: {  	v59 =	vld [tilespmem:$0x30];
	v1 =	vand.u32 $0x3FFF, v1;
	[tilespmem:$0x2800] =	vst v4  }
0x37: {  	[tilespmem:$0x2900] =	vst v1;
	v1 =	vshrl.u32 v2, $0xE  }
0x38: {  	[tilespmem:$0x2810] =	vst v1;
	v1 =	vand.u32 $0x3FFF, v2;
	v2 =	vld [tilespmem:$0x40]  }
0x39: {  	[tilespmem:$0x2910] =	vst v1;
	v1 =	vshrl.u32 v3, $0xE  }
0x3a: {  	[tilespmem:$0x2820] =	vst v1;
	v1 =	vand.u32 $0x3FFF, v3;
	v3 =	vld [tilespmem:$0x50]  }
0x3b: {  	[tilespmem:$0x2920] =	vst v1;
	v1 =	vshrl.u32 v59, $0xE  }
0x3c: {  	v60 =	vld [tilespmem:$0x60];
	[tilespmem:$0x2830] =	vst v1;
	v1 =	vand.u32 $0x3FFF, v59  }
0x3d: {  	[tilespmem:$0x2930] =	vst v1;
	v1 =	vshrl.u32 v2, $0xE  }
0x3e: {  	[tilespmem:$0x2840] =	vst v1;
	v1 =	vand.u32 $0x3FFF, v2;
	v2 =	vld [tilespmem:$0x70]  }
0x3f: {  	[tilespmem:$0x2940] =	vst v1;
	v1 =	vshrl.u32 v3, $0xE  }
0x40: {  	[tilespmem:$0x2850] =	vst v1;
	v1 =	vand.u32 $0x3FFF, v3  }
0x41: {  	[tilespmem:$0x2950] =	vst v1;
	v1 =	vshrl.u32 v60, $0xE  }
0x42: {  	[tilespmem:$0x2860] =	vst v1;
	v1 =	vand.u32 $0x3FFF, v60  }
0x43: {  	[tilespmem:$0x2960] =	vst v1;
	v1 =	vshrl.u32 v2, $0xE  }
0x44: {  	[tilespmem:$0x2870] =	vst v1;
	v1 =	vand.u32 $0x3FFF, v2  }
0x45: {  	[tilespmem:$0x2970] =	vst v1  }
0x46: {  	[tilespmem:s18], [sflag:$0x1] =	stream.indirect.gather [hbm4b:s1+s16], $0x80, s17, s16, $0xb8;
	[tilespmem:$0x1ED00] =	vst v63  }
0x47: {  	_ = 	snop  }
0x48: {  	[tilespmem:s20], [sflag:$0x3] =	stream.indirect.gather [hbm4b:s1+s16], $0x80, s19, s16, $0xb8;
	[tilespmem:$0x1ED00] =	vst v63  }
0x49: {  	v1 =	vld [tilespmem:$0x80];
	_ =	sdelay $0x1  }
0x4a: {  	v2 =	vld [tilespmem:$0x90];
	_ =	sdelay $0x1  }
0x4b: {  	v3 =	vld [tilespmem:$0xA0]  }
0x4c: {  	v61 =	vshrl.u32 v1, $0xE  }
0x4d: {  	v62 =	vld [tilespmem:$0xB0];
	v1 =	vand.u32 $0x3FFF, v1;
	[tilespmem:$0x2880] =	vst v61  }
0x4e: {  	[tilespmem:$0x2980] =	vst v1;
	v1 =	vshrl.u32 v2, $0xE  }
0x4f: {  	[tilespmem:$0x2890] =	vst v1;
	v1 =	vand.u32 $0x3FFF, v2;
	v2 =	vld [tilespmem:$0xC0]  }
0x50: {  	[tilespmem:$0x2990] =	vst v1;
	v1 =	vshrl.u32 v3, $0xE  }
0x51: {  	[tilespmem:$0x28A0] =	vst v1;
	v1 =	vand.u32 $0x3FFF, v3;
	v3 =	vld [tilespmem:$0xD0]  }
0x52: {  	[tilespmem:$0x29A0] =	vst v1;
	v1 =	vshrl.u32 v62, $0xE  }
0x53: {  	v63 =	vld [tilespmem:$0xE0];
	[tilespmem:$0x28B0] =	vst v1;
	v1 =	vand.u32 $0x3FFF, v62  }
0x54: {  	[tilespmem:$0x29B0] =	vst v1;
	v1 =	vshrl.u32 v2, $0xE  }
0x55: {  	[tilespmem:$0x28C0] =	vst v1;
	v1 =	vand.u32 $0x3FFF, v2;
	v2 =	vld [tilespmem:$0xF0]  }
0x56: {  	[tilespmem:$0x29C0] =	vst v1;
	v1 =	vshrl.u32 v3, $0xE  }
0x57: {  	[tilespmem:$0x28D0] =	vst v1;
	v1 =	vand.u32 $0x3FFF, v3  }
0x58: {  	[tilespmem:$0x29D0] =	vst v1;
	v1 =	vshrl.u32 v63, $0xE  }
0x59: {  	[tilespmem:$0x28E0] =	vst v1;
	v1 =	vand.u32 $0x3FFF, v63  }
0x5a: {  	[tilespmem:$0x29E0] =	vst v1;
	v1 =	vshrl.u32 v2, $0xE  }
0x5b: {  	[tilespmem:$0x28F0] =	vst v1;
	v1 =	vand.u32 $0x3FFF, v2  }
0x5c: {  	[tilespmem:$0x29F0] =	vst v1  }
0x5d: {  	[tilespmem:s22], [sflag:$0x2] =	stream.indirect.gather [hbm4b:s1+s16], $0x80, s21, s16, $0xb8;
	[tilespmem:$0x1ED00] =	vst v63  }
0x5e: {  	_ = 	snop  }
0x5f: {  	[tilespmem:s24], [sflag:$0x4] =	stream.indirect.gather [hbm4b:s1+s16], $0x80, s23, s16, $0xb8;
	[tilespmem:$0x1ED00] =	vst v63  }
0x60: {  	_ =	swait.ge [sflag:s25], $0x2000  }
0x61: {  	[sflag:s25] =	ssyncset.done $0x0  }
0x62: {  	[sflag:s25] =	ssyncadd.s32 $0xFFFFE000  }
0x63: {  	_ =	swait.ge [sflag:s26], $0x2000  }
0x64: {  	[sflag:s26] =	ssyncset.done $0x0  }
0x65: {  	[sflag:s26] =	ssyncadd.s32 $0xFFFFE000  }
0x66: {  	[spmem:s4] =	stream.indirect.scatter.add.f32 [tilespmem:s30], [sflag:$0x5], $0x1, s29, s28, $0xb8;
	[tilespmem:$0x1ED00] =	vst v63  }
0x67: {  	_ = 	snop  }
0x68: {  	[spmem:s3] =	stream.indirect.scatter.add.f32 [tilespmem:s18], [sflag:$0x7], $0x80, s29, s28, $0xb8;
	[tilespmem:$0x1ED00] =	vst v63  }
0x69: {  	_ =	swait.ge [sflag:s14], $0x4000  }
0x6a: {  	[sflag:s14] =	ssyncset.done $0x0  }
0x6b: {  	[sflag:s14] =	ssyncadd.s32 $0xFFFFC000  }
0x6c: {  	_ =	swait.ge [sflag:s31], $0x80  }
0x6d: {  	p0 =	por $0x0, $0x0;
	s9 =	simm.s32 $0x100;
	[sflag:s31] =	ssyncset.done $0x0  }
0x6e: {  	s9 =	simm.s32 @p0 $0x0;
	[sflag:s31] =	ssyncadd.s32 $0xFFFFFF80  }
0x6f: {  	v1 =	vld [tilespmem:s9+$0x0];
	_ =	sdelay $0x4  }
0x70: {  	v2 =	vshrl.u32 v1, $0xE  }
0x71: {  	v1 =	vand.u32 $0x3FFF, v1;
	[tilespmem:$0x2800] =	vst v2  }
0x72: {  	[tilespmem:$0x2900] =	vst v1  }
0x73: {  	v1 =	vld [tilespmem:s9+$0x10];
	_ =	sdelay $0x4  }
0x74: {  	v2 =	vshrl.u32 v1, $0xE  }
0x75: {  	v1 =	vand.u32 $0x3FFF, v1;
	[tilespmem:$0x2810] =	vst v2  }
0x76: {  	[tilespmem:$0x2910] =	vst v1  }
0x77: {  	v1 =	vld [tilespmem:s9+$0x20];
	_ =	sdelay $0x4  }
0x78: {  	v2 =	vshrl.u32 v1, $0xE  }
0x79: {  	v1 =	vand.u32 $0x3FFF, v1;
	[tilespmem:$0x2820] =	vst v2  }
0x7a: {  	[tilespmem:$0x2920] =	vst v1  }
0x7b: {  	v1 =	vld [tilespmem:s9+$0x30];
	_ =	sdelay $0x4  }
0x7c: {  	v2 =	vshrl.u32 v1, $0xE  }
0x7d: {  	v1 =	vand.u32 $0x3FFF, v1;
	[tilespmem:$0x2830] =	vst v2  }
0x7e: {  	[tilespmem:$0x2930] =	vst v1  }
0x7f: {  	v1 =	vld [tilespmem:s9+$0x40];
	_ =	sdelay $0x4  }
0x80: {  	v2 =	vshrl.u32 v1, $0xE  }
0x81: {  	v1 =	vand.u32 $0x3FFF, v1;
	[tilespmem:$0x2840] =	vst v2  }
0x82: {  	[tilespmem:$0x2940] =	vst v1  }
0x83: {  	v1 =	vld [tilespmem:s9+$0x50];
	_ =	sdelay $0x4  }
0x84: {  	v2 =	vshrl.u32 v1, $0xE  }
0x85: {  	v1 =	vand.u32 $0x3FFF, v1;
	[tilespmem:$0x2850] =	vst v2  }
0x86: {  	[tilespmem:$0x2950] =	vst v1  }
0x87: {  	v1 =	vld [tilespmem:s9+$0x60];
	_ =	sdelay $0x4  }
0x88: {  	v2 =	vshrl.u32 v1, $0xE  }
0x89: {  	v1 =	vand.u32 $0x3FFF, v1;
	[tilespmem:$0x2860] =	vst v2  }
0x8a: {  	[tilespmem:$0x2960] =	vst v1  }
0x8b: {  	v1 =	vld [tilespmem:s9+$0x70];
	_ =	sdelay $0x4  }
0x8c: {  	v2 =	vshrl.u32 v1, $0xE  }
0x8d: {  	v1 =	vand.u32 $0x3FFF, v1;
	[tilespmem:$0x2870] =	vst v2  }
0x8e: {  	[tilespmem:$0x2970] =	vst v1  }
0x8f: {  	[tilespmem:s18], [sflag:$0x1] =	stream.indirect.gather [hbm4b:s1+s16], $0x80, s17, s16, $0xb8;
	[tilespmem:$0x1ED00] =	vst v63  }
0x90: {  	_ = 	snop  }
0x91: {  	[tilespmem:s20], [sflag:$0x3] =	stream.indirect.gather [hbm4b:s1+s16], $0x80, s19, s16, $0xb8;
	[tilespmem:$0x1ED00] =	vst v63  }
0x92: {  	_ =	swait.ge [sflag:s0], $0x2000  }
0x93: {  	[sflag:s0] =	ssyncset.done $0x0  }
0x94: {  	[sflag:s0] =	ssyncadd.s32 $0xFFFFE000  }
0x95: {  	_ =	swait.ge [sflag:s2], $0x2000  }
0x96: {  	[sflag:s2] =	ssyncset.done $0x0  }
0x97: {  	[sflag:s2] =	ssyncadd.s32 $0xFFFFE000  }
0x98: {  	[spmem:s4] =	stream.indirect.scatter.add.f32 [tilespmem:s30], [sflag:$0x6], $0x1, s5, s28, $0xb8;
	[tilespmem:$0x1ED00] =	vst v63  }
0x99: {  	_ = 	snop  }
0x9a: {  	[spmem:s3] =	stream.indirect.scatter.add.f32 [tilespmem:s22], [sflag:$0x7], $0x80, s5, s28, $0xb8;
	[tilespmem:$0x1ED00] =	vst v63  }
0x9b: {  	_ =	swait.ge [sflag:s14], $0x4000  }
0x9c: {  	[sflag:s14] =	ssyncset.done $0x0  }
0x9d: {  	[sflag:s14] =	ssyncadd.s32 $0xFFFFC000  }
0x9e: {  	_ =	swait.ge [sflag:s6], $0x80  }
0x9f: {  	s10 =	simm.s32 $0x180;
	[sflag:s6] =	ssyncset.done $0x0  }
0xa0: {  	s10 =	simm.s32 @p0 $0x80;
	[sflag:s6] =	ssyncadd.s32 $0xFFFFFF80  }
0xa1: {  	v1 =	vld [tilespmem:s10+$0x0];
	_ =	sdelay $0x4  }
0xa2: {  	v2 =	vshrl.u32 v1, $0xE  }
0xa3: {  	v1 =	vand.u32 $0x3FFF, v1;
	[tilespmem:$0x2880] =	vst v2  }
0xa4: {  	[tilespmem:$0x2980] =	vst v1  }
0xa5: {  	v1 =	vld [tilespmem:s10+$0x10];
	_ =	sdelay $0x4  }
0xa6: {  	v2 =	vshrl.u32 v1, $0xE  }
0xa7: {  	v1 =	vand.u32 $0x3FFF, v1;
	[tilespmem:$0x2890] =	vst v2  }
0xa8: {  	[tilespmem:$0x2990] =	vst v1  }
0xa9: {  	v1 =	vld [tilespmem:s10+$0x20];
	_ =	sdelay $0x4  }
0xaa: {  	v2 =	vshrl.u32 v1, $0xE  }
0xab: {  	v1 =	vand.u32 $0x3FFF, v1;
	[tilespmem:$0x28A0] =	vst v2  }
0xac: {  	[tilespmem:$0x29A0] =	vst v1  }
0xad: {  	v1 =	vld [tilespmem:s10+$0x30];
	_ =	sdelay $0x4  }
0xae: {  	v2 =	vshrl.u32 v1, $0xE  }
0xaf: {  	v1 =	vand.u32 $0x3FFF, v1;
	[tilespmem:$0x28B0] =	vst v2  }
0xb0: {  	[tilespmem:$0x29B0] =	vst v1  }
0xb1: {  	v1 =	vld [tilespmem:s10+$0x40];
	_ =	sdelay $0x4  }
0xb2: {  	v2 =	vshrl.u32 v1, $0xE  }
0xb3: {  	v1 =	vand.u32 $0x3FFF, v1;
	[tilespmem:$0x28C0] =	vst v2  }
0xb4: {  	[tilespmem:$0x29C0] =	vst v1  }
0xb5: {  	v1 =	vld [tilespmem:s10+$0x50];
	_ =	sdelay $0x4  }
0xb6: {  	v2 =	vshrl.u32 v1, $0xE  }
0xb7: {  	v1 =	vand.u32 $0x3FFF, v1;
	[tilespmem:$0x28D0] =	vst v2  }
0xb8: {  	[tilespmem:$0x29D0] =	vst v1  }
0xb9: {  	s9 =	simm.s32 $0x280;
	v1 =	vld [tilespmem:s10+$0x60]  }
.LBB2_2:
0xba: {  	_ = 	snop  }
0xbb: {  	p0 =	sne.s32 s9, $0x2880;
	s11 =	smov.u32 s9;
	s9 =	sadd.s32 $0x100, s9  }
0xbc: {  	_ =	sdelay $0x1  }
0xbd: {  	v2 =	vshrl.u32 v1, $0xE;
	v1 =	vand.u32 $0x3FFF, v1  }
0xbe: {  	[tilespmem:$0x28E0] =	vst v2  }
0xbf: {  	[tilespmem:$0x29E0] =	vst v1  }
0xc0: {  	v1 =	vld [tilespmem:s10+$0x70];
	_ =	sdelay $0x4  }
0xc1: {  	v2 =	vshrl.u32 v1, $0xE;
	v1 =	vand.u32 $0x3FFF, v1  }
0xc2: {  	[tilespmem:$0x28F0] =	vst v2  }
0xc3: {  	[tilespmem:$0x29F0] =	vst v1  }
0xc4: {  	[tilespmem:s22], [sflag:$0x2] =	stream.indirect.gather [hbm4b:s1+s16], $0x80, s21, s16, $0xb8;
	[tilespmem:$0x1ED00] =	vst v63  }
0xc5: {  	_ = 	snop  }
0xc6: {  	[tilespmem:s24], [sflag:$0x4] =	stream.indirect.gather [hbm4b:s1+s16], $0x80, s23, s16, $0xb8;
	[tilespmem:$0x1ED00] =	vst v63  }
0xc7: {  	_ =	swait.ge [sflag:s25], $0x2000  }
0xc8: {  	[sflag:s25] =	ssyncset.done $0x0  }
0xc9: {  	[sflag:s25] =	ssyncadd.s32 $0xFFFFE000  }
0xca: {  	_ =	swait.ge [sflag:s26], $0x2000  }
0xcb: {  	[sflag:s26] =	ssyncset.done $0x0  }
0xcc: {  	[sflag:s26] =	ssyncadd.s32 $0xFFFFE000  }
0xcd: {  	[spmem:s4] =	stream.indirect.scatter.add.f32 [tilespmem:s30], [sflag:$0x5], $0x1, s29, s28, $0xb8;
	[tilespmem:$0x1ED00] =	vst v63  }
0xce: {  	_ = 	snop  }
0xcf: {  	[spmem:s3] =	stream.indirect.scatter.add.f32 [tilespmem:s18], [sflag:$0x7], $0x80, s29, s28, $0xb8;
	[tilespmem:$0x1ED00] =	vst v63  }
0xd0: {  	_ =	swait.ge [sflag:s14], $0x4000  }
0xd1: {  	[sflag:s14] =	ssyncset.done $0x0  }
0xd2: {  	[sflag:s14] =	ssyncadd.s32 $0xFFFFC000  }
0xd3: {  	_ =	swait.ge [sflag:s31], $0x80  }
0xd4: {  	p1 =	seq.s32 s11, $0x2880;
	s10 =	sadd.s32 $0xFFFFFF80, s11;
	[sflag:s31] =	ssyncset.done $0x0  }
0xd5: {  	s10 =	simm.s32 @p1 $0x0;
	[sflag:s31] =	ssyncadd.s32 $0xFFFFFF80  }
0xd6: {  	v1 =	vld [tilespmem:s10+$0x0];
	_ =	sdelay $0x4  }
0xd7: {  	v2 =	vshrl.u32 v1, $0xE;
	v1 =	vand.u32 $0x3FFF, v1  }
0xd8: {  	[tilespmem:$0x2800] =	vst v2  }
0xd9: {  	[tilespmem:$0x2900] =	vst v1  }
0xda: {  	v1 =	vld [tilespmem:s10+$0x10];
	_ =	sdelay $0x4  }
0xdb: {  	v2 =	vshrl.u32 v1, $0xE;
	v1 =	vand.u32 $0x3FFF, v1  }
0xdc: {  	[tilespmem:$0x2810] =	vst v2  }
0xdd: {  	[tilespmem:$0x2910] =	vst v1  }
0xde: {  	v1 =	vld [tilespmem:s10+$0x20];
	_ =	sdelay $0x4  }
0xdf: {  	v2 =	vshrl.u32 v1, $0xE;
	v1 =	vand.u32 $0x3FFF, v1  }
0xe0: {  	[tilespmem:$0x2820] =	vst v2  }
0xe1: {  	[tilespmem:$0x2920] =	vst v1  }
0xe2: {  	v1 =	vld [tilespmem:s10+$0x30];
	_ =	sdelay $0x4  }
0xe3: {  	v2 =	vshrl.u32 v1, $0xE;
	v1 =	vand.u32 $0x3FFF, v1  }
0xe4: {  	[tilespmem:$0x2830] =	vst v2  }
0xe5: {  	[tilespmem:$0x2930] =	vst v1  }
0xe6: {  	v1 =	vld [tilespmem:s10+$0x40];
	_ =	sdelay $0x4  }
0xe7: {  	v2 =	vshrl.u32 v1, $0xE;
	v1 =	vand.u32 $0x3FFF, v1  }
0xe8: {  	[tilespmem:$0x2840] =	vst v2  }
0xe9: {  	[tilespmem:$0x2940] =	vst v1  }
0xea: {  	v1 =	vld [tilespmem:s10+$0x50];
	_ =	sdelay $0x4  }
0xeb: {  	v2 =	vshrl.u32 v1, $0xE;
	v1 =	vand.u32 $0x3FFF, v1  }
0xec: {  	[tilespmem:$0x2850] =	vst v2  }
0xed: {  	[tilespmem:$0x2950] =	vst v1  }
0xee: {  	v1 =	vld [tilespmem:s10+$0x60];
	_ =	sdelay $0x4  }
0xef: {  	v2 =	vshrl.u32 v1, $0xE;
	v1 =	vand.u32 $0x3FFF, v1  }
0xf0: {  	[tilespmem:$0x2860] =	vst v2  }
0xf1: {  	[tilespmem:$0x2960] =	vst v1  }
0xf2: {  	v1 =	vld [tilespmem:s10+$0x70];
	_ =	sdelay $0x4  }
0xf3: {  	v2 =	vshrl.u32 v1, $0xE;
	v1 =	vand.u32 $0x3FFF, v1  }
0xf4: {  	[tilespmem:$0x2870] =	vst v2  }
0xf5: {  	[tilespmem:$0x2970] =	vst v1  }
0xf6: {  	[tilespmem:s18], [sflag:$0x1] =	stream.indirect.gather [hbm4b:s1+s16], $0x80, s17, s16, $0xb8;
	[tilespmem:$0x1ED00] =	vst v63  }
0xf7: {  	_ = 	snop  }
0xf8: {  	[tilespmem:s20], [sflag:$0x3] =	stream.indirect.gather [hbm4b:s1+s16], $0x80, s19, s16, $0xb8;
	[tilespmem:$0x1ED00] =	vst v63  }
0xf9: {  	_ =	swait.ge [sflag:s0], $0x2000  }
0xfa: {  	[sflag:s0] =	ssyncset.done $0x0  }
0xfb: {  	[sflag:s0] =	ssyncadd.s32 $0xFFFFE000  }
0xfc: {  	_ =	swait.ge [sflag:s2], $0x2000  }
0xfd: {  	s10 =	smov.u32 s11;
	[sflag:s2] =	ssyncset.done $0x0  }
0xfe: {  	s10 =	simm.s32 @p1 $0x80;
	[sflag:s2] =	ssyncadd.s32 $0xFFFFE000  }
0xff: {  	[spmem:s4] =	stream.indirect.scatter.add.f32 [tilespmem:s30], [sflag:$0x6], $0x1, s5, s28, $0xb8;
	[tilespmem:$0x1ED00] =	vst v63  }
0x100: {  	_ = 	snop  }
0x101: {  	[spmem:s3] =	stream.indirect.scatter.add.f32 [tilespmem:s22], [sflag:$0x7], $0x80, s5, s28, $0xb8;
	[tilespmem:$0x1ED00] =	vst v63  }
0x102: {  	_ =	swait.ge [sflag:s14], $0x4000  }
0x103: {  	[sflag:s14] =	ssyncset.done $0x0  }
0x104: {  	[sflag:s14] =	ssyncadd.s32 $0xFFFFC000  }
0x105: {  	_ =	swait.ge [sflag:s6], $0x80  }
0x106: {  	[sflag:s6] =	ssyncset.done $0x0  }
0x107: {  	[sflag:s6] =	ssyncadd.s32 $0xFFFFFF80  }
0x108: {  	v1 =	vld [tilespmem:s10+$0x0];
	_ =	sdelay $0x4  }
0x109: {  	v2 =	vshrl.u32 v1, $0xE;
	v1 =	vand.u32 $0x3FFF, v1  }
0x10a: {  	[tilespmem:$0x2880] =	vst v2  }
0x10b: {  	[tilespmem:$0x2980] =	vst v1  }
0x10c: {  	v1 =	vld [tilespmem:s10+$0x10];
	_ =	sdelay $0x4  }
0x10d: {  	v2 =	vshrl.u32 v1, $0xE;
	v1 =	vand.u32 $0x3FFF, v1  }
0x10e: {  	[tilespmem:$0x2890] =	vst v2  }
0x10f: {  	[tilespmem:$0x2990] =	vst v1  }
0x110: {  	v1 =	vld [tilespmem:s10+$0x20];
	_ =	sdelay $0x4  }
0x111: {  	v2 =	vshrl.u32 v1, $0xE;
	v1 =	vand.u32 $0x3FFF, v1  }
0x112: {  	[tilespmem:$0x28A0] =	vst v2  }
0x113: {  	[tilespmem:$0x29A0] =	vst v1  }
0x114: {  	v1 =	vld [tilespmem:s10+$0x30];
	_ =	sdelay $0x4  }
0x115: {  	v2 =	vshrl.u32 v1, $0xE;
	v1 =	vand.u32 $0x3FFF, v1  }
0x116: {  	[tilespmem:$0x28B0] =	vst v2  }
0x117: {  	[tilespmem:$0x29B0] =	vst v1  }
0x118: {  	v1 =	vld [tilespmem:s10+$0x40];
	_ =	sdelay $0x4  }
0x119: {  	v2 =	vshrl.u32 v1, $0xE;
	v1 =	vand.u32 $0x3FFF, v1  }
0x11a: {  	[tilespmem:$0x28C0] =	vst v2  }
0x11b: {  	[tilespmem:$0x29C0] =	vst v1  }
0x11c: {  	v1 =	vld [tilespmem:s10+$0x50];
	_ =	sdelay $0x3  }
.Ltmp0:
0x11d: {  	(pc) =	sbr.rel @p0 .LBB2_2-.Ltmp0, $4  }
0x11e: {  	v2 =	vshrl.u32 v1, $0xE;
	v1 =	vand.u32 $0x3FFF, v1  }
0x11f: {  	[tilespmem:$0x28D0] =	vst v2  }
0x120: {  	[tilespmem:$0x29D0] =	vst v1  }
0x121: {  	v1 =	vld [tilespmem:s10+$0x60]  }
0x122: {  	_ =	sdelay $0x3  }
0x123: {  	v2 =	vshrl.u32 v1, $0xE  }
0x124: {  	v1 =	vand.u32 $0x3FFF, v1;
	[tilespmem:$0x28E0] =	vst v2  }
0x125: {  	[tilespmem:$0x29E0] =	vst v1  }
0x126: {  	v1 =	vld [tilespmem:s10+$0x70];
	_ =	sdelay $0x4  }
0x127: {  	v2 =	vshrl.u32 v1, $0xE  }
0x128: {  	v1 =	vand.u32 $0x3FFF, v1;
	[tilespmem:$0x28F0] =	vst v2  }
0x129: {  	[tilespmem:$0x29F0] =	vst v1  }
0x12a: {  	[tilespmem:s22], [sflag:$0x2] =	stream.indirect.gather [hbm4b:s1+s16], $0x80, s21, s16, $0xb8;
	[tilespmem:$0x1ED00] =	vst v63  }
0x12b: {  	_ = 	snop  }
0x12c: {  	[tilespmem:s24], [sflag:$0x4] =	stream.indirect.gather [hbm4b:s1+s16], $0x80, s23, s16, $0xb8;
	[tilespmem:$0x1ED00] =	vst v63  }
0x12d: {  	_ =	swait.ge [sflag:s25], $0x2000  }
0x12e: {  	[sflag:s25] =	ssyncset.done $0x0  }
0x12f: {  	[sflag:s25] =	ssyncadd.s32 $0xFFFFE000  }
0x130: {  	_ =	swait.ge [sflag:s26], $0x2000  }
0x131: {  	[sflag:s26] =	ssyncset.done $0x0  }
0x132: {  	[sflag:s26] =	ssyncadd.s32 $0xFFFFE000  }
0x133: {  	_ =	swait.ge [sflag:s0], $0x2000  }
0x134: {  	[sflag:s0] =	ssyncset.done $0x0  }
0x135: {  	[sflag:s0] =	ssyncadd.s32 $0xFFFFE000  }
0x136: {  	_ =	swait.ge [sflag:s2], $0x2000  }
0x137: {  	[sflag:s2] =	ssyncset.done $0x0  }
0x138: {  	[sflag:s2] =	ssyncadd.s32 $0xFFFFE000  }
0x139: {  	[bflag:$0x0] =	sbarrier.arrive $0xFFFF  }
0x13a: {  	s9 =	rddreg [dreg:$0x9]  }
0x13b: {  	[hbm:s9], [sflag:s7] =	dma.local [spmem:s13], $0x2800  }
0x13c: {  	s11 =	simm.s32 $0x10;
	s8 =	sadd.s32 $0x1, s8;
	_ =	swait.ge [sflag:s14], $0x2800  }
0x13d: {  	p0 =	sne.s32 s8, s12;
	s10 =	simm.s32 $0x20;
	[sflag:s14] =	ssyncset.done $0x0  }
.Ltmp1:
0x13e: {  	s9 =	rddreg [dreg:$0xa];
	[sflag:s14] =	ssyncadd.s32 $0xFFFFD800;
	(pc) =	sbr.rel @p0 .LBB2_1-.Ltmp1, $4  }
0x13f: {  	[hbm:s9@s10], [sflag:s7] =	dma.strided [spmem:s15@s11], $0x50, s25, $0x10   }
0x140: {  	_ =	swait.ge [sflag:s14], $0x50  }
0x141: {  	[sflag:s14] =	ssyncset.done $0x0  }
0x142: {  	[sflag:s14] =	ssyncadd.s32 $0xFFFFFFB0  }
0x143: {  	_ =	sfence.sel $0x180000  }
0x144: {  	[bflag:$0x0] =	sbarrier.arrive $0xFFFF  }
0x145: {  	_ =	strace $0x90000047  }
0x146: {  	s0 =	stileid.u32;
	[bflag:$0x2] =	sbarrier.arrive $0xFFFF  }
0x147: {  	p0 =	sne.s32 s0, $0x0;
	s0 =	rddreg [dreg:$0x5]  }
0x148: {  	s0 =	sadd.s32 @!p0 $0x100000, s0  }
0x149: {  	[sflag:s0] =	ssyncadd.tile.s32 @!p0 $0x1;
	_ =	shalt  }
.Lfunc_end2:
_tile_overlayer_lowered:
.L_overlay_start_2:
0x14a: {  	(tag) =	ssettag $0x2  }
0x14b: {  	s0 =	rddreg [dreg:$0x0];
	s2 =	stileid.u32  }
0x14c: {  	s1 =	rddreg [dreg:$0x1];
	p0 =	sne.s32 s2, $0x0  }
0x14d: {  	s3 =	rddreg [dreg:$0x2];
	[bflag:$0x3] =	sbarrier.arrive $0xFFFF;
	s2 =	simm.s32 @!p0 $0x1C07  }
0x14e: {  	[timem:s3], [sflag:s2] =	dma.local @!p0 [hbm:s0], s1  }
0x14f: {  	s0 =	simm.s32 @!p0 $0x7  }
0x150: {  	_ =	swait.ge @!p0 [sflag:s0], s1  }
0x151: {  	s1 =	ssub.s32 @!p0 $0x0, s1;
	[sflag:s0] =	ssyncset.done @!p0 $0x0  }
0x152: {  	[sflag:s0] =	ssyncadd.s32 @!p0 s1  }
0x153: {  	[bflag:$0x3] =	sbarrier.arrive $0xFFFF  }
0x154: {  	_ =	shalt  }

</sc_bundles>
